<compile_context>
chip_gen: v7x
topology: tpu7x:2x2x1
jax: 0.10.2.dev20260603
libtpu: 0.0.44.dev20260713+nightly
codegen_flags: <defaults>
</compile_context>

<pallas_src>
import jax
import jax.numpy as jnp
from jax.experimental import pallas as pl
from jax.experimental.pallas import tpu as pltpu
from jax.experimental.pallas import tpu_sc as plsc

B, T1, H = 1024, 201, 128
N = 128
RB = 64
TCH = 3
NCH = T1 // TCH
NCA = 12
SC_PER_CORE = 6
NQ = 8
SC_UNROLL = 8

_sc_mesh = plsc.ScalarSubcoreMesh(axis_name="core", num_cores=2)


def _sc_fill_body(z_hbm, o_hbm, zbuf, sems):
    core = jax.lax.axis_index("core")
    pltpu.async_copy(z_hbm, zbuf, sems.at[0]).wait()
    for k in range(SC_PER_CORE):
        idx = core * SC_PER_CORE + k

        @pl.when(idx < NCA)
        def _():
            pltpu.make_async_copy(
                zbuf, o_hbm.at[pl.ds(idx * TCH, TCH), :, :], sems.at[k % NQ]
            ).start()

    for k in range(SC_PER_CORE):
        idx = core * SC_PER_CORE + k

        @pl.when(idx < NCA)
        def _():
            pltpu.make_async_copy(
                zbuf, o_hbm.at[pl.ds(idx * TCH, TCH), :, :], sems.at[k % NQ]
            ).wait()


def _reduce_kernel(h_ref, sp2d_ref, ops_ref, vals_ref, ptr_ref):
    vals_ref[...] = jnp.max(h_ref[...], axis=1)

    @pl.when(pl.program_id(0) == 0)
    def _():
        a = ops_ref[...]
        a0, a1, a2 = a[0:1, :], a[1:2, :], a[2:3, :]
        c0 = (a0 >= a1) & (a0 >= a2)
        c1 = a1 >= a2
        op = jnp.where(c0, 0, jnp.where(c1, 1, 2)).astype(jnp.int32)
        ptr_ref[...] = jnp.maximum(sp2d_ref[...] + op - 1, 0)


def _finish_kernel(buf_ref, sp_ref, vals_ref, out_ref, zbuf, sems, ssems):
    del buf_ref
    zbuf[...] = jnp.zeros((TCH, B, H), jnp.float32)
    descs = []
    for c in range(NCA, NCH):
        d = pltpu.make_async_copy(
            zbuf, out_ref.at[pl.ds(c * TCH, TCH), :, :], sems.at[c % NQ])
        d.start()
        descs.append(d)
    for d in descs:
        d.wait()

    def issue(g, _):
        for k in range(SC_UNROLL):
            b = g * SC_UNROLL + k
            row = sp_ref[b] + 1
            pltpu.make_async_copy(
                vals_ref.at[pl.ds(b, 1), :], out_ref.at[row, pl.ds(b, 1), :],
                ssems.at[k]).start()
        return _

    jax.lax.fori_loop(0, B // SC_UNROLL, issue, 0)

    for k in range(SC_UNROLL):
        pltpu.make_async_copy(
            vals_ref.at[pl.ds(0, B // SC_UNROLL), :],
            out_ref.at[0, pl.ds(0, B // SC_UNROLL), :],
            ssems.at[k]).wait()


def kernel(stack, stack_pointers, stack_op, hiddens):
    sp32 = stack_pointers.astype(jnp.int32)

    sc_fill = pl.kernel(
        _sc_fill_body,
        out_type=jax.ShapeDtypeStruct((T1, B, H), jnp.float32),
        mesh=_sc_mesh,
        scratch_types=[
            pltpu.VMEM_SHARED((TCH, B, H), jnp.float32),
            pltpu.SemaphoreType.DMA((NQ,)),
        ],
    )
    part = sc_fill(jnp.zeros((TCH, B, H), jnp.float32))

    vals, new_ptr = pl.pallas_call(
        _reduce_kernel,
        grid=(B // RB,),
        in_specs=[
            pl.BlockSpec((RB, N, H), lambda i: (i, 0, 0)),
            pl.BlockSpec((1, B), lambda i: (0, 0)),
            pl.BlockSpec((3, B), lambda i: (0, 0)),
        ],
        out_specs=[
            pl.BlockSpec((RB, H), lambda i: (i, 0)),
            pl.BlockSpec((1, B), lambda i: (0, 0)),
        ],
        out_shape=[
            jax.ShapeDtypeStruct((B, H), jnp.float32),
            jax.ShapeDtypeStruct((1, B), jnp.int32),
        ],
    )(hiddens[:, :, :H], sp32.reshape(1, B), stack_op.T)

    stack_t = pl.pallas_call(
        _finish_kernel,
        in_specs=[
            pl.BlockSpec(memory_space=pltpu.MemorySpace.HBM),
            pl.BlockSpec(memory_space=pltpu.MemorySpace.SMEM),
            pl.BlockSpec(memory_space=pltpu.MemorySpace.VMEM),
        ],
        out_specs=pl.BlockSpec(memory_space=pltpu.MemorySpace.HBM),
        out_shape=jax.ShapeDtypeStruct((T1, B, H), jnp.float32),
        input_output_aliases={0: 0},
        scratch_shapes=[
            pltpu.VMEM((TCH, B, H), jnp.float32),
            pltpu.SemaphoreType.DMA((NQ,)),
            pltpu.SemaphoreType.DMA((SC_UNROLL,)),
        ],
    )(part, sp32, vals)

    new_stack = jnp.transpose(stack_t, (1, 0, 2))
    return (new_stack, new_ptr.reshape(B).astype(stack_pointers.dtype))

# --- scband reference (transcript-rebuilt; emitter-appended) ---
"""Pipeline reference for scband-graph-level-callstack-module-40346922779208 (READ-ONLY COPY).

The authoritative reference and input builder live on the scoring server;
editing this copy changes nothing except your own understanding.
"""

import jax, jax.numpy as jnp
import numpy as np

NUM_HIDDENS_FOR_STACK = 128

def setup_inputs(seed: int = 0) -> dict:
    key = jax.random.key(seed)
    k1, k2, k3 = jax.random.split(key, 3)
    B, T1, H = 1024, 201, 128
    N, D = 128, 128
    stack = jnp.zeros((B, T1, H), dtype=jnp.float32)
    stack_pointers = jax.random.randint(k1, (B,), 0, 199).astype(jnp.int64)
    stack_op = jax.random.normal(k2, (B, 3), dtype=jnp.float32)
    hiddens = jax.random.normal(k3, (B, N, D), dtype=jnp.float32)
    return {"stack": stack, "stack_pointers": stack_pointers, "stack_op": stack_op, "hiddens": hiddens}

def reference(stack, stack_pointers, stack_op, hiddens):
    # GraphLevelCallstackModule.__call__ with value_network=None, pooling=jnp.max
    H = NUM_HIDDENS_FOR_STACK
    B, T1, _ = stack.shape
    stack_ops = jnp.argmax(stack_op, axis=-1)
    new_stack_vals = jnp.max(hiddens[:, :, :H], axis=1)
    flat = stack.reshape(-1, stack.shape[-1])
    idx = stack_pointers + 1 + T1 * jnp.arange(B)
    flat = flat.at[idx, :].set(new_stack_vals)
    new_stack = flat.reshape(stack.shape)
    new_pointers = jnp.maximum(stack_pointers + stack_ops - 1, 0)
    return (new_stack, new_pointers)

if __name__ == "__main__":
    import jax
    _d = setup_inputs()
    print(jax.jit(kernel)(*tuple(_d.values())))

</pallas_src>

<mosaic_0001>
#map = affine_map<(d0) -> (0, 0, 0)>
module attributes {stable_mosaic.version = 14 : i64} {
  func.func @_sc_fill_body(%arg0: i32, %arg1: memref<3x1024x128xf32, #tpu.memory_space<hbm>>, %arg2: memref<201x1024x128xf32, #tpu.memory_space<hbm>>, %arg3: memref<3x1024x128xf32, #tpu.memory_space<vmem_shared>>, %arg4: memref<8x!tpu.dma_semaphore, #tpu.memory_space<semaphore_mem>>) attributes {dimension_semantics = [#tpu.dimension_semantics<core_parallel>], iteration_bounds = array<i64: 2>, scalar_prefetch = 0 : i64, scratch_operands = 2 : i64, tpu.core_type = #tpu.core_type<sc_scalar_subcore>, window_params = [{transform_indices = #map}, {transform_indices = #map}]} {
    %dma_start3A = arith.constant 0 : i32
    %dma_start3A_0 = tpu.memref_slice %arg4[%dma_start3A] : memref<8x!tpu.dma_semaphore, #tpu.memory_space<semaphore_mem>> -> memref<1x!tpu.dma_semaphore, #tpu.memory_space<semaphore_mem>>
    %dma_start3A_1 = tpu.memref_squeeze %dma_start3A_0 : memref<1x!tpu.dma_semaphore, #tpu.memory_space<semaphore_mem>> -> memref<!tpu.dma_semaphore, #tpu.memory_space<semaphore_mem>>
    tpu.enqueue_dma source(%arg1 : memref<3x1024x128xf32, #tpu.memory_space<hbm>>) target(%arg3 : memref<3x1024x128xf32, #tpu.memory_space<vmem_shared>>) target_semaphore(%dma_start3A_1 : memref<!tpu.dma_semaphore, #tpu.memory_space<semaphore_mem>>)
    %dma_wait3A = arith.constant 0 : i32
    %dma_wait3A_2 = tpu.memref_slice %arg4[%dma_wait3A] : memref<8x!tpu.dma_semaphore, #tpu.memory_space<semaphore_mem>> -> memref<1x!tpu.dma_semaphore, #tpu.memory_space<semaphore_mem>>
    %dma_wait3A_3 = tpu.memref_squeeze %dma_wait3A_2 : memref<1x!tpu.dma_semaphore, #tpu.memory_space<semaphore_mem>> -> memref<!tpu.dma_semaphore, #tpu.memory_space<semaphore_mem>>
    tpu.wait_dma2 semaphore(%dma_wait3A_3 : memref<!tpu.dma_semaphore, #tpu.memory_space<semaphore_mem>>) src(%arg1 : memref<3x1024x128xf32, #tpu.memory_space<hbm>>) dst(%arg3 : memref<3x1024x128xf32, #tpu.memory_space<vmem_shared>>)
    %mul3A = arith.constant 6 : i32
    %mul3A_4 = arith.muli %arg0, %mul3A : i32
    %add3A = arith.constant 0 : i32
    %add3A_5 = arith.addi %mul3A_4, %add3A : i32
    %lt3A = arith.constant 12 : i32
    %lt3A_6 = arith.cmpi slt, %add3A_5, %lt3A : i32
    %convert_element_type3A = arith.extui %lt3A_6 : i1 to i32
    %cond3A = arith.constant 0 : i32
    %cond3A_7 = arith.cmpi ne, %convert_element_type3A, %cond3A : i32
    scf.if %cond3A_7 {
      %mul3A_107 = arith.constant 3 : i32
      %mul3A_108 = arith.muli %add3A_5, %mul3A_107 : i32
      %dma_start3A_109 = arith.constant 0 : i32
      %dma_start3A_110 = tpu.memref_slice %arg4[%dma_start3A_109] : memref<8x!tpu.dma_semaphore, #tpu.memory_space<semaphore_mem>> -> memref<1x!tpu.dma_semaphore, #tpu.memory_space<semaphore_mem>>
      %dma_start3A_111 = tpu.memref_squeeze %dma_start3A_110 : memref<1x!tpu.dma_semaphore, #tpu.memory_space<semaphore_mem>> -> memref<!tpu.dma_semaphore, #tpu.memory_space<semaphore_mem>>
      %dma_start3A_112 = arith.constant 0 : i32
      %dma_start3A_113 = arith.constant 0 : i32
      %dma_start3A_114 = tpu.memref_slice %arg2[%mul3A_108, %dma_start3A_112, %dma_start3A_113] : memref<201x1024x128xf32, #tpu.memory_space<hbm>> -> memref<3x1024x128xf32, #tpu.memory_space<hbm>>
      tpu.enqueue_dma source(%arg3 : memref<3x1024x128xf32, #tpu.memory_space<vmem_shared>>) target(%dma_start3A_114 : memref<3x1024x128xf32, #tpu.memory_space<hbm>>) target_semaphore(%dma_start3A_111 : memref<!tpu.dma_semaphore, #tpu.memory_space<semaphore_mem>>)
    } else {
    }
    %mul3A_8 = arith.constant 6 : i32
    %mul3A_9 = arith.muli %arg0, %mul3A_8 : i32
    %add3A_10 = arith.constant 1 : i32
    %add3A_11 = arith.addi %mul3A_9, %add3A_10 : i32
    %lt3A_12 = arith.constant 12 : i32
    %lt3A_13 = arith.cmpi slt, %add3A_11, %lt3A_12 : i32
    %convert_element_type3A_14 = arith.extui %lt3A_13 : i1 to i32
    %cond3A_15 = arith.constant 0 : i32
    %cond3A_16 = arith.cmpi ne, %convert_element_type3A_14, %cond3A_15 : i32
    scf.if %cond3A_16 {
      %mul3A_107 = arith.constant 3 : i32
      %mul3A_108 = arith.muli %add3A_11, %mul3A_107 : i32
      %dma_start3A_109 = arith.constant 1 : i32
      %dma_start3A_110 = tpu.memref_slice %arg4[%dma_start3A_109] : memref<8x!tpu.dma_semaphore, #tpu.memory_space<semaphore_mem>> -> memref<1x!tpu.dma_semaphore, #tpu.memory_space<semaphore_mem>>
      %dma_start3A_111 = tpu.memref_squeeze %dma_start3A_110 : memref<1x!tpu.dma_semaphore, #tpu.memory_space<semaphore_mem>> -> memref<!tpu.dma_semaphore, #tpu.memory_space<semaphore_mem>>
      %dma_start3A_112 = arith.constant 0 : i32
      %dma_start3A_113 = arith.constant 0 : i32
      %dma_start3A_114 = tpu.memref_slice %arg2[%mul3A_108, %dma_start3A_112, %dma_start3A_113] : memref<201x1024x128xf32, #tpu.memory_space<hbm>> -> memref<3x1024x128xf32, #tpu.memory_space<hbm>>
      tpu.enqueue_dma source(%arg3 : memref<3x1024x128xf32, #tpu.memory_space<vmem_shared>>) target(%dma_start3A_114 : memref<3x1024x128xf32, #tpu.memory_space<hbm>>) target_semaphore(%dma_start3A_111 : memref<!tpu.dma_semaphore, #tpu.memory_space<semaphore_mem>>)
    } else {
    }
    %mul3A_17 = arith.constant 6 : i32
    %mul3A_18 = arith.muli %arg0, %mul3A_17 : i32
    %add3A_19 = arith.constant 2 : i32
    %add3A_20 = arith.addi %mul3A_18, %add3A_19 : i32
    %lt3A_21 = arith.constant 12 : i32
    %lt3A_22 = arith.cmpi slt, %add3A_20, %lt3A_21 : i32
    %convert_element_type3A_23 = arith.extui %lt3A_22 : i1 to i32
    %cond3A_24 = arith.constant 0 : i32
    %cond3A_25 = arith.cmpi ne, %convert_element_type3A_23, %cond3A_24 : i32
    scf.if %cond3A_25 {
      %mul3A_107 = arith.constant 3 : i32
      %mul3A_108 = arith.muli %add3A_20, %mul3A_107 : i32
      %dma_start3A_109 = arith.constant 2 : i32
      %dma_start3A_110 = tpu.memref_slice %arg4[%dma_start3A_109] : memref<8x!tpu.dma_semaphore, #tpu.memory_space<semaphore_mem>> -> memref<1x!tpu.dma_semaphore, #tpu.memory_space<semaphore_mem>>
      %dma_start3A_111 = tpu.memref_squeeze %dma_start3A_110 : memref<1x!tpu.dma_semaphore, #tpu.memory_space<semaphore_mem>> -> memref<!tpu.dma_semaphore, #tpu.memory_space<semaphore_mem>>
      %dma_start3A_112 = arith.constant 0 : i32
      %dma_start3A_113 = arith.constant 0 : i32
      %dma_start3A_114 = tpu.memref_slice %arg2[%mul3A_108, %dma_start3A_112, %dma_start3A_113] : memref<201x1024x128xf32, #tpu.memory_space<hbm>> -> memref<3x1024x128xf32, #tpu.memory_space<hbm>>
      tpu.enqueue_dma source(%arg3 : memref<3x1024x128xf32, #tpu.memory_space<vmem_shared>>) target(%dma_start3A_114 : memref<3x1024x128xf32, #tpu.memory_space<hbm>>) target_semaphore(%dma_start3A_111 : memref<!tpu.dma_semaphore, #tpu.memory_space<semaphore_mem>>)
    } else {
    }
    %mul3A_26 = arith.constant 6 : i32
    %mul3A_27 = arith.muli %arg0, %mul3A_26 : i32
    %add3A_28 = arith.constant 3 : i32
    %add3A_29 = arith.addi %mul3A_27, %add3A_28 : i32
    %lt3A_30 = arith.constant 12 : i32
    %lt3A_31 = arith.cmpi slt, %add3A_29, %lt3A_30 : i32
    %convert_element_type3A_32 = arith.extui %lt3A_31 : i1 to i32
    %cond3A_33 = arith.constant 0 : i32
    %cond3A_34 = arith.cmpi ne, %convert_element_type3A_32, %cond3A_33 : i32
    scf.if %cond3A_34 {
      %mul3A_107 = arith.constant 3 : i32
      %mul3A_108 = arith.muli %add3A_29, %mul3A_107 : i32
      %dma_start3A_109 = arith.constant 3 : i32
      %dma_start3A_110 = tpu.memref_slice %arg4[%dma_start3A_109] : memref<8x!tpu.dma_semaphore, #tpu.memory_space<semaphore_mem>> -> memref<1x!tpu.dma_semaphore, #tpu.memory_space<semaphore_mem>>
      %dma_start3A_111 = tpu.memref_squeeze %dma_start3A_110 : memref<1x!tpu.dma_semaphore, #tpu.memory_space<semaphore_mem>> -> memref<!tpu.dma_semaphore, #tpu.memory_space<semaphore_mem>>
      %dma_start3A_112 = arith.constant 0 : i32
      %dma_start3A_113 = arith.constant 0 : i32
      %dma_start3A_114 = tpu.memref_slice %arg2[%mul3A_108, %dma_start3A_112, %dma_start3A_113] : memref<201x1024x128xf32, #tpu.memory_space<hbm>> -> memref<3x1024x128xf32, #tpu.memory_space<hbm>>
      tpu.enqueue_dma source(%arg3 : memref<3x1024x128xf32, #tpu.memory_space<vmem_shared>>) target(%dma_start3A_114 : memref<3x1024x128xf32, #tpu.memory_space<hbm>>) target_semaphore(%dma_start3A_111 : memref<!tpu.dma_semaphore, #tpu.memory_space<semaphore_mem>>)
    } else {
    }
    %mul3A_35 = arith.constant 6 : i32
    %mul3A_36 = arith.muli %arg0, %mul3A_35 : i32
    %add3A_37 = arith.constant 4 : i32
    %add3A_38 = arith.addi %mul3A_36, %add3A_37 : i32
    %lt3A_39 = arith.constant 12 : i32
    %lt3A_40 = arith.cmpi slt, %add3A_38, %lt3A_39 : i32
    %convert_element_type3A_41 = arith.extui %lt3A_40 : i1 to i32
    %cond3A_42 = arith.constant 0 : i32
    %cond3A_43 = arith.cmpi ne, %convert_element_type3A_41, %cond3A_42 : i32
    scf.if %cond3A_43 {
      %mul3A_107 = arith.constant 3 : i32
      %mul3A_108 = arith.muli %add3A_38, %mul3A_107 : i32
      %dma_start3A_109 = arith.constant 4 : i32
      %dma_start3A_110 = tpu.memref_slice %arg4[%dma_start3A_109] : memref<8x!tpu.dma_semaphore, #tpu.memory_space<semaphore_mem>> -> memref<1x!tpu.dma_semaphore, #tpu.memory_space<semaphore_mem>>
      %dma_start3A_111 = tpu.memref_squeeze %dma_start3A_110 : memref<1x!tpu.dma_semaphore, #tpu.memory_space<semaphore_mem>> -> memref<!tpu.dma_semaphore, #tpu.memory_space<semaphore_mem>>
      %dma_start3A_112 = arith.constant 0 : i32
      %dma_start3A_113 = arith.constant 0 : i32
      %dma_start3A_114 = tpu.memref_slice %arg2[%mul3A_108, %dma_start3A_112, %dma_start3A_113] : memref<201x1024x128xf32, #tpu.memory_space<hbm>> -> memref<3x1024x128xf32, #tpu.memory_space<hbm>>
      tpu.enqueue_dma source(%arg3 : memref<3x1024x128xf32, #tpu.memory_space<vmem_shared>>) target(%dma_start3A_114 : memref<3x1024x128xf32, #tpu.memory_space<hbm>>) target_semaphore(%dma_start3A_111 : memref<!tpu.dma_semaphore, #tpu.memory_space<semaphore_mem>>)
    } else {
    }
    %mul3A_44 = arith.constant 6 : i32
    %mul3A_45 = arith.muli %arg0, %mul3A_44 : i32
    %add3A_46 = arith.constant 5 : i32
    %add3A_47 = arith.addi %mul3A_45, %add3A_46 : i32
    %lt3A_48 = arith.constant 12 : i32
    %lt3A_49 = arith.cmpi slt, %add3A_47, %lt3A_48 : i32
    %convert_element_type3A_50 = arith.extui %lt3A_49 : i1 to i32
    %cond3A_51 = arith.constant 0 : i32
    %cond3A_52 = arith.cmpi ne, %convert_element_type3A_50, %cond3A_51 : i32
    scf.if %cond3A_52 {
      %mul3A_107 = arith.constant 3 : i32
      %mul3A_108 = arith.muli %add3A_47, %mul3A_107 : i32
      %dma_start3A_109 = arith.constant 5 : i32
      %dma_start3A_110 = tpu.memref_slice %arg4[%dma_start3A_109] : memref<8x!tpu.dma_semaphore, #tpu.memory_space<semaphore_mem>> -> memref<1x!tpu.dma_semaphore, #tpu.memory_space<semaphore_mem>>
      %dma_start3A_111 = tpu.memref_squeeze %dma_start3A_110 : memref<1x!tpu.dma_semaphore, #tpu.memory_space<semaphore_mem>> -> memref<!tpu.dma_semaphore, #tpu.memory_space<semaphore_mem>>
      %dma_start3A_112 = arith.constant 0 : i32
      %dma_start3A_113 = arith.constant 0 : i32
      %dma_start3A_114 = tpu.memref_slice %arg2[%mul3A_108, %dma_start3A_112, %dma_start3A_113] : memref<201x1024x128xf32, #tpu.memory_space<hbm>> -> memref<3x1024x128xf32, #tpu.memory_space<hbm>>
      tpu.enqueue_dma source(%arg3 : memref<3x1024x128xf32, #tpu.memory_space<vmem_shared>>) target(%dma_start3A_114 : memref<3x1024x128xf32, #tpu.memory_space<hbm>>) target_semaphore(%dma_start3A_111 : memref<!tpu.dma_semaphore, #tpu.memory_space<semaphore_mem>>)
    } else {
    }
    %mul3A_53 = arith.constant 6 : i32
    %mul3A_54 = arith.muli %arg0, %mul3A_53 : i32
    %add3A_55 = arith.constant 0 : i32
    %add3A_56 = arith.addi %mul3A_54, %add3A_55 : i32
    %lt3A_57 = arith.constant 12 : i32
    %lt3A_58 = arith.cmpi slt, %add3A_56, %lt3A_57 : i32
    %convert_element_type3A_59 = arith.extui %lt3A_58 : i1 to i32
    %cond3A_60 = arith.constant 0 : i32
    %cond3A_61 = arith.cmpi ne, %convert_element_type3A_59, %cond3A_60 : i32
    scf.if %cond3A_61 {
      %mul3A_107 = arith.constant 3 : i32
      %mul3A_108 = arith.muli %add3A_56, %mul3A_107 : i32
      %dma_wait3A_109 = arith.constant 0 : i32
      %dma_wait3A_110 = tpu.memref_slice %arg4[%dma_wait3A_109] : memref<8x!tpu.dma_semaphore, #tpu.memory_space<semaphore_mem>> -> memref<1x!tpu.dma_semaphore, #tpu.memory_space<semaphore_mem>>
      %dma_wait3A_111 = tpu.memref_squeeze %dma_wait3A_110 : memref<1x!tpu.dma_semaphore, #tpu.memory_space<semaphore_mem>> -> memref<!tpu.dma_semaphore, #tpu.memory_space<semaphore_mem>>
      %dma_wait3A_112 = arith.constant 0 : i32
      %dma_wait3A_113 = arith.constant 0 : i32
      %dma_wait3A_114 = tpu.memref_slice %arg2[%mul3A_108, %dma_wait3A_112, %dma_wait3A_113] : memref<201x1024x128xf32, #tpu.memory_space<hbm>> -> memref<3x1024x128xf32, #tpu.memory_space<hbm>>
      tpu.wait_dma2 semaphore(%dma_wait3A_111 : memref<!tpu.dma_semaphore, #tpu.memory_space<semaphore_mem>>) src(%arg3 : memref<3x1024x128xf32, #tpu.memory_space<vmem_shared>>) dst(%dma_wait3A_114 : memref<3x1024x128xf32, #tpu.memory_space<hbm>>)
    } else {
    }
    %mul3A_62 = arith.constant 6 : i32
    %mul3A_63 = arith.muli %arg0, %mul3A_62 : i32
    %add3A_64 = arith.constant 1 : i32
    %add3A_65 = arith.addi %mul3A_63, %add3A_64 : i32
    %lt3A_66 = arith.constant 12 : i32
    %lt3A_67 = arith.cmpi slt, %add3A_65, %lt3A_66 : i32
    %convert_element_type3A_68 = arith.extui %lt3A_67 : i1 to i32
    %cond3A_69 = arith.constant 0 : i32
    %cond3A_70 = arith.cmpi ne, %convert_element_type3A_68, %cond3A_69 : i32
    scf.if %cond3A_70 {
      %mul3A_107 = arith.constant 3 : i32
      %mul3A_108 = arith.muli %add3A_65, %mul3A_107 : i32
      %dma_wait3A_109 = arith.constant 1 : i32
      %dma_wait3A_110 = tpu.memref_slice %arg4[%dma_wait3A_109] : memref<8x!tpu.dma_semaphore, #tpu.memory_space<semaphore_mem>> -> memref<1x!tpu.dma_semaphore, #tpu.memory_space<semaphore_mem>>
      %dma_wait3A_111 = tpu.memref_squeeze %dma_wait3A_110 : memref<1x!tpu.dma_semaphore, #tpu.memory_space<semaphore_mem>> -> memref<!tpu.dma_semaphore, #tpu.memory_space<semaphore_mem>>
      %dma_wait3A_112 = arith.constant 0 : i32
      %dma_wait3A_113 = arith.constant 0 : i32
      %dma_wait3A_114 = tpu.memref_slice %arg2[%mul3A_108, %dma_wait3A_112, %dma_wait3A_113] : memref<201x1024x128xf32, #tpu.memory_space<hbm>> -> memref<3x1024x128xf32, #tpu.memory_space<hbm>>
      tpu.wait_dma2 semaphore(%dma_wait3A_111 : memref<!tpu.dma_semaphore, #tpu.memory_space<semaphore_mem>>) src(%arg3 : memref<3x1024x128xf32, #tpu.memory_space<vmem_shared>>) dst(%dma_wait3A_114 : memref<3x1024x128xf32, #tpu.memory_space<hbm>>)
    } else {
    }
    %mul3A_71 = arith.constant 6 : i32
    %mul3A_72 = arith.muli %arg0, %mul3A_71 : i32
    %add3A_73 = arith.constant 2 : i32
    %add3A_74 = arith.addi %mul3A_72, %add3A_73 : i32
    %lt3A_75 = arith.constant 12 : i32
    %lt3A_76 = arith.cmpi slt, %add3A_74, %lt3A_75 : i32
    %convert_element_type3A_77 = arith.extui %lt3A_76 : i1 to i32
    %cond3A_78 = arith.constant 0 : i32
    %cond3A_79 = arith.cmpi ne, %convert_element_type3A_77, %cond3A_78 : i32
    scf.if %cond3A_79 {
      %mul3A_107 = arith.constant 3 : i32
      %mul3A_108 = arith.muli %add3A_74, %mul3A_107 : i32
      %dma_wait3A_109 = arith.constant 2 : i32
      %dma_wait3A_110 = tpu.memref_slice %arg4[%dma_wait3A_109] : memref<8x!tpu.dma_semaphore, #tpu.memory_space<semaphore_mem>> -> memref<1x!tpu.dma_semaphore, #tpu.memory_space<semaphore_mem>>
      %dma_wait3A_111 = tpu.memref_squeeze %dma_wait3A_110 : memref<1x!tpu.dma_semaphore, #tpu.memory_space<semaphore_mem>> -> memref<!tpu.dma_semaphore, #tpu.memory_space<semaphore_mem>>
      %dma_wait3A_112 = arith.constant 0 : i32
      %dma_wait3A_113 = arith.constant 0 : i32
      %dma_wait3A_114 = tpu.memref_slice %arg2[%mul3A_108, %dma_wait3A_112, %dma_wait3A_113] : memref<201x1024x128xf32, #tpu.memory_space<hbm>> -> memref<3x1024x128xf32, #tpu.memory_space<hbm>>
      tpu.wait_dma2 semaphore(%dma_wait3A_111 : memref<!tpu.dma_semaphore, #tpu.memory_space<semaphore_mem>>) src(%arg3 : memref<3x1024x128xf32, #tpu.memory_space<vmem_shared>>) dst(%dma_wait3A_114 : memref<3x1024x128xf32, #tpu.memory_space<hbm>>)
    } else {
    }
    %mul3A_80 = arith.constant 6 : i32
    %mul3A_81 = arith.muli %arg0, %mul3A_80 : i32
    %add3A_82 = arith.constant 3 : i32
    %add3A_83 = arith.addi %mul3A_81, %add3A_82 : i32
    %lt3A_84 = arith.constant 12 : i32
    %lt3A_85 = arith.cmpi slt, %add3A_83, %lt3A_84 : i32
    %convert_element_type3A_86 = arith.extui %lt3A_85 : i1 to i32
    %cond3A_87 = arith.constant 0 : i32
    %cond3A_88 = arith.cmpi ne, %convert_element_type3A_86, %cond3A_87 : i32
    scf.if %cond3A_88 {
      %mul3A_107 = arith.constant 3 : i32
      %mul3A_108 = arith.muli %add3A_83, %mul3A_107 : i32
      %dma_wait3A_109 = arith.constant 3 : i32
      %dma_wait3A_110 = tpu.memref_slice %arg4[%dma_wait3A_109] : memref<8x!tpu.dma_semaphore, #tpu.memory_space<semaphore_mem>> -> memref<1x!tpu.dma_semaphore, #tpu.memory_space<semaphore_mem>>
      %dma_wait3A_111 = tpu.memref_squeeze %dma_wait3A_110 : memref<1x!tpu.dma_semaphore, #tpu.memory_space<semaphore_mem>> -> memref<!tpu.dma_semaphore, #tpu.memory_space<semaphore_mem>>
      %dma_wait3A_112 = arith.constant 0 : i32
      %dma_wait3A_113 = arith.constant 0 : i32
      %dma_wait3A_114 = tpu.memref_slice %arg2[%mul3A_108, %dma_wait3A_112, %dma_wait3A_113] : memref<201x1024x128xf32, #tpu.memory_space<hbm>> -> memref<3x1024x128xf32, #tpu.memory_space<hbm>>
      tpu.wait_dma2 semaphore(%dma_wait3A_111 : memref<!tpu.dma_semaphore, #tpu.memory_space<semaphore_mem>>) src(%arg3 : memref<3x1024x128xf32, #tpu.memory_space<vmem_shared>>) dst(%dma_wait3A_114 : memref<3x1024x128xf32, #tpu.memory_space<hbm>>)
    } else {
    }
    %mul3A_89 = arith.constant 6 : i32
    %mul3A_90 = arith.muli %arg0, %mul3A_89 : i32
    %add3A_91 = arith.constant 4 : i32
    %add3A_92 = arith.addi %mul3A_90, %add3A_91 : i32
    %lt3A_93 = arith.constant 12 : i32
    %lt3A_94 = arith.cmpi slt, %add3A_92, %lt3A_93 : i32
    %convert_element_type3A_95 = arith.extui %lt3A_94 : i1 to i32
    %cond3A_96 = arith.constant 0 : i32
    %cond3A_97 = arith.cmpi ne, %convert_element_type3A_95, %cond3A_96 : i32
    scf.if %cond3A_97 {
      %mul3A_107 = arith.constant 3 : i32
      %mul3A_108 = arith.muli %add3A_92, %mul3A_107 : i32
      %dma_wait3A_109 = arith.constant 4 : i32
      %dma_wait3A_110 = tpu.memref_slice %arg4[%dma_wait3A_109] : memref<8x!tpu.dma_semaphore, #tpu.memory_space<semaphore_mem>> -> memref<1x!tpu.dma_semaphore, #tpu.memory_space<semaphore_mem>>
      %dma_wait3A_111 = tpu.memref_squeeze %dma_wait3A_110 : memref<1x!tpu.dma_semaphore, #tpu.memory_space<semaphore_mem>> -> memref<!tpu.dma_semaphore, #tpu.memory_space<semaphore_mem>>
      %dma_wait3A_112 = arith.constant 0 : i32
      %dma_wait3A_113 = arith.constant 0 : i32
      %dma_wait3A_114 = tpu.memref_slice %arg2[%mul3A_108, %dma_wait3A_112, %dma_wait3A_113] : memref<201x1024x128xf32, #tpu.memory_space<hbm>> -> memref<3x1024x128xf32, #tpu.memory_space<hbm>>
      tpu.wait_dma2 semaphore(%dma_wait3A_111 : memref<!tpu.dma_semaphore, #tpu.memory_space<semaphore_mem>>) src(%arg3 : memref<3x1024x128xf32, #tpu.memory_space<vmem_shared>>) dst(%dma_wait3A_114 : memref<3x1024x128xf32, #tpu.memory_space<hbm>>)
    } else {
    }
    %mul3A_98 = arith.constant 6 : i32
    %mul3A_99 = arith.muli %arg0, %mul3A_98 : i32
    %add3A_100 = arith.constant 5 : i32
    %add3A_101 = arith.addi %mul3A_99, %add3A_100 : i32
    %lt3A_102 = arith.constant 12 : i32
    %lt3A_103 = arith.cmpi slt, %add3A_101, %lt3A_102 : i32
    %convert_element_type3A_104 = arith.extui %lt3A_103 : i1 to i32
    %cond3A_105 = arith.constant 0 : i32
    %cond3A_106 = arith.cmpi ne, %convert_element_type3A_104, %cond3A_105 : i32
    scf.if %cond3A_106 {
      %mul3A_107 = arith.constant 3 : i32
      %mul3A_108 = arith.muli %add3A_101, %mul3A_107 : i32
      %dma_wait3A_109 = arith.constant 5 : i32
      %dma_wait3A_110 = tpu.memref_slice %arg4[%dma_wait3A_109] : memref<8x!tpu.dma_semaphore, #tpu.memory_space<semaphore_mem>> -> memref<1x!tpu.dma_semaphore, #tpu.memory_space<semaphore_mem>>
      %dma_wait3A_111 = tpu.memref_squeeze %dma_wait3A_110 : memref<1x!tpu.dma_semaphore, #tpu.memory_space<semaphore_mem>> -> memref<!tpu.dma_semaphore, #tpu.memory_space<semaphore_mem>>
      %dma_wait3A_112 = arith.constant 0 : i32
      %dma_wait3A_113 = arith.constant 0 : i32
      %dma_wait3A_114 = tpu.memref_slice %arg2[%mul3A_108, %dma_wait3A_112, %dma_wait3A_113] : memref<201x1024x128xf32, #tpu.memory_space<hbm>> -> memref<3x1024x128xf32, #tpu.memory_space<hbm>>
      tpu.wait_dma2 semaphore(%dma_wait3A_111 : memref<!tpu.dma_semaphore, #tpu.memory_space<semaphore_mem>>) src(%arg3 : memref<3x1024x128xf32, #tpu.memory_space<vmem_shared>>) dst(%dma_wait3A_114 : memref<3x1024x128xf32, #tpu.memory_space<hbm>>)
    } else {
    }
    return
  }
}

module attributes {stable_mosaic.version = 14 : i64} {
  func.func @_reduce_kernel(%arg0: i32, %arg1: memref<64x128x128xf32, #tpu.memory_space<vmem>>, %arg2: memref<1x1024xi32, #tpu.memory_space<vmem>>, %arg3: memref<3x1024xf32, #tpu.memory_space<vmem>>, %arg4: memref<64x128xf32, #tpu.memory_space<vmem>>, %arg5: memref<1x1024xi32, #tpu.memory_space<vmem>>) attributes {dimension_semantics = [#tpu.dimension_semantics<arbitrary>], iteration_bounds = array<i64: 16>, scalar_prefetch = 0 : i64, scratch_operands = 0 : i64, tpu.core_type = #tpu.core_type<tc>, window_params = [{transform_indices = @transform_0, window_bounds = array<i64: 64, 128, 128>}, {pipeline_mode = #tpu.pipeline_mode<synchronous>, transform_indices = @transform_1, window_bounds = array<i64: 1, 1024>}, {pipeline_mode = #tpu.pipeline_mode<synchronous>, transform_indices = @transform_2, window_bounds = array<i64: 3, 1024>}, {transform_indices = @transform_3, window_bounds = array<i64: 64, 128>}, {pipeline_mode = #tpu.pipeline_mode<synchronous>, transform_indices = @transform_4, window_bounds = array<i64: 1, 1024>}]} {
    %get3A = arith.constant 0 : index
    %get3A_0 = arith.constant 0 : index
    %get3A_1 = arith.constant 0 : index
    %get3A_2 = vector.load %arg1[%get3A, %get3A_0, %get3A_1] : memref<64x128x128xf32, #tpu.memory_space<vmem>>, vector<64x128x128xf32>
    %reduce_max3A = arith.constant dense<0xFF800000> : vector<64x128xf32>
    %reduce_max3A_3 = vector.multi_reduction <maximumf>, %get3A_2, %reduce_max3A [1] : vector<64x128x128xf32> to vector<64x128xf32>
    %swap3A = arith.constant 0 : index
    %swap3A_4 = arith.constant 0 : index
    %swap3A_5 = vector.load %arg4[%swap3A, %swap3A_4] : memref<64x128xf32, #tpu.memory_space<vmem>>, vector<64x128xf32>
    tpu.vector_store %arg4[%swap3A, %swap3A_4], %reduce_max3A_3 {strides = array<i32>} : memref<64x128xf32, #tpu.memory_space<vmem>>, vector<64x128xf32>,
    %eq3A = arith.constant 0 : i32
    %eq3A_6 = arith.cmpi eq, %arg0, %eq3A : i32
    %convert_element_type3A = arith.extui %eq3A_6 : i1 to i32
    %cond3A = arith.constant 0 : i32
    %cond3A_7 = arith.cmpi ne, %convert_element_type3A, %cond3A : i32
    scf.if %cond3A_7 {
      %get3A_8 = arith.constant 0 : index
      %get3A_9 = arith.constant 0 : index
      %get3A_10 = vector.load %arg3[%get3A_8, %get3A_9] : memref<3x1024xf32, #tpu.memory_space<vmem>>, vector<3x1024xf32>
      %slice3A = vector.extract_strided_slice %get3A_10 {offsets = [0, 0], sizes = [1, 1024], strides = [1, 1]} : vector<3x1024xf32> to vector<1x1024xf32>
      %slice3A_11 = vector.extract_strided_slice %get3A_10 {offsets = [1, 0], sizes = [1, 1024], strides = [1, 1]} : vector<3x1024xf32> to vector<1x1024xf32>
      %slice3A_12 = vector.extract_strided_slice %get3A_10 {offsets = [2, 0], sizes = [1, 1024], strides = [1, 1]} : vector<3x1024xf32> to vector<1x1024xf32>
      %ge3A = arith.cmpf oge, %slice3A, %slice3A_11 : vector<1x1024xf32>
      %ge3A_13 = arith.cmpf oge, %slice3A, %slice3A_12 : vector<1x1024xf32>
      %and3A = arith.andi %ge3A, %ge3A_13 : vector<1x1024xi1>
      %ge3A_14 = arith.cmpf oge, %slice3A_11, %slice3A_12 : vector<1x1024xf32>
      %jit3A = arith.constant 1 : i32
      %jit3A_15 = arith.constant 2 : i32
      %broadcast_in_dim3A = vector.broadcast %jit3A : i32 to vector<1x1024xi32>
      %broadcast_in_dim3A_16 = vector.broadcast %jit3A_15 : i32 to vector<1x1024xi32>
      %select_n3A = arith.select %ge3A_14, %broadcast_in_dim3A, %broadcast_in_dim3A_16 : vector<1x1024xi1>, vector<1x1024xi32>
      %jit3A_17 = arith.constant 0 : i32
      %broadcast_in_dim3A_18 = vector.broadcast %jit3A_17 : i32 to vector<1x1024xi32>
      %select_n3A_19 = arith.select %and3A, %broadcast_in_dim3A_18, %select_n3A : vector<1x1024xi1>, vector<1x1024xi32>
      %get3A_20 = arith.constant 0 : index
      %get3A_21 = arith.constant 0 : index
      %get3A_22 = vector.load %arg2[%get3A_20, %get3A_21] : memref<1x1024xi32, #tpu.memory_space<vmem>>, vector<1x1024xi32>
      %add3A = arith.addi %get3A_22, %select_n3A_19 : vector<1x1024xi32>
      %sub3A = arith.constant 1 : i32
      %sub3A_23 = vector.broadcast %sub3A : i32 to vector<1x1024xi32>
      %sub3A_24 = arith.subi %add3A, %sub3A_23 : vector<1x1024xi32>
      %max3A = arith.constant 0 : i32
      %max3A_25 = vector.broadcast %max3A : i32 to vector<1x1024xi32>
      %max3A_26 = arith.maxsi %sub3A_24, %max3A_25 : vector<1x1024xi32>
      %swap3A_27 = arith.constant 0 : index
      %swap3A_28 = arith.constant 0 : index
      %swap3A_29 = vector.load %arg5[%swap3A_27, %swap3A_28] : memref<1x1024xi32, #tpu.memory_space<vmem>>, vector<1x1024xi32>
      tpu.vector_store %arg5[%swap3A_27, %swap3A_28], %max3A_26 {strides = array<i32>} : memref<1x1024xi32, #tpu.memory_space<vmem>>, vector<1x1024xi32>,
    } else {
    }
    return
  }
  func.func @transform_0(%arg0: i32) -> (i32, i32, i32) {
    %c0_i32 = arith.constant 0 : i32
    %c0_i32_0 = arith.constant 0 : i32
    %c0_i32_1 = arith.constant 0 : i32
    return %arg0, %c0_i32, %c0_i32_0 : i32, i32, i32
  }
  func.func @transform_1(%arg0: i32) -> (i32, i32) {
    %c0_i32 = arith.constant 0 : i32
    %c0_i32_0 = arith.constant 0 : i32
    %c0_i32_1 = arith.constant 0 : i32
    return %c0_i32, %c0_i32_0 : i32, i32
  }
  func.func @transform_2(%arg0: i32) -> (i32, i32) {
    %c0_i32 = arith.constant 0 : i32
    %c0_i32_0 = arith.constant 0 : i32
    %c0_i32_1 = arith.constant 0 : i32
    return %c0_i32, %c0_i32_0 : i32, i32
  }
  func.func @transform_3(%arg0: i32) -> (i32, i32) {
    %c0_i32 = arith.constant 0 : i32
    %c0_i32_0 = arith.constant 0 : i32
    return %arg0, %c0_i32 : i32, i32
  }
  func.func @transform_4(%arg0: i32) -> (i32, i32) {
    %c0_i32 = arith.constant 0 : i32
    %c0_i32_0 = arith.constant 0 : i32
    %c0_i32_1 = arith.constant 0 : i32
    return %c0_i32, %c0_i32_0 : i32, i32
  }
}

module attributes {stable_mosaic.version = 14 : i64} {
  func.func @_finish_kernel(%arg0: memref<201x1024x128xf32, #tpu.memory_space<hbm>>, %arg1: memref<1024xi32, #tpu.memory_space<smem>>, %arg2: memref<1024x128xf32, #tpu.memory_space<vmem>>, %arg3: memref<201x1024x128xf32, #tpu.memory_space<hbm>>, %arg4: memref<3x1024x128xf32, #tpu.memory_space<vmem>>, %arg5: memref<8x!tpu.dma_semaphore, #tpu.memory_space<semaphore_mem>>, %arg6: memref<8x!tpu.dma_semaphore, #tpu.memory_space<semaphore_mem>>) attributes {dimension_semantics = [], scalar_prefetch = 0 : i64, scratch_operands = 3 : i64, tpu.core_type = #tpu.core_type<tc>} {
    %broadcast_in_dim3A = arith.constant 0.000000e+00 : f32
    %broadcast_in_dim3A_0 = vector.broadcast %broadcast_in_dim3A : f32 to vector<3x1024x128xf32>
    %swap3A = arith.constant 0 : index
    %swap3A_1 = arith.constant 0 : index
    %swap3A_2 = arith.constant 0 : index
    %swap3A_3 = vector.load %arg4[%swap3A, %swap3A_1, %swap3A_2] : memref<3x1024x128xf32, #tpu.memory_space<vmem>>, vector<3x1024x128xf32>
    tpu.vector_store %arg4[%swap3A, %swap3A_1, %swap3A_2], %broadcast_in_dim3A_0 {strides = array<i32>} : memref<3x1024x128xf32, #tpu.memory_space<vmem>>, vector<3x1024x128xf32>,
    %dma_start3A = arith.constant 4 : i32
    %dma_start3A_4 = tpu.memref_slice %arg5[%dma_start3A] : memref<8x!tpu.dma_semaphore, #tpu.memory_space<semaphore_mem>> -> memref<1x!tpu.dma_semaphore, #tpu.memory_space<semaphore_mem>>
    %dma_start3A_5 = tpu.memref_squeeze %dma_start3A_4 : memref<1x!tpu.dma_semaphore, #tpu.memory_space<semaphore_mem>> -> memref<!tpu.dma_semaphore, #tpu.memory_space<semaphore_mem>>
    %dma_start3A_6 = arith.constant 36 : i32
    %dma_start3A_7 = arith.constant 0 : i32
    %dma_start3A_8 = arith.constant 0 : i32
    %dma_start3A_9 = tpu.memref_slice %arg3[%dma_start3A_6, %dma_start3A_7, %dma_start3A_8] : memref<201x1024x128xf32, #tpu.memory_space<hbm>> -> memref<3x1024x128xf32, #tpu.memory_space<hbm>>
    tpu.enqueue_dma source(%arg4 : memref<3x1024x128xf32, #tpu.memory_space<vmem>>) target(%dma_start3A_9 : memref<3x1024x128xf32, #tpu.memory_space<hbm>>) target_semaphore(%dma_start3A_5 : memref<!tpu.dma_semaphore, #tpu.memory_space<semaphore_mem>>)
    %dma_start3A_10 = arith.constant 5 : i32
    %dma_start3A_11 = tpu.memref_slice %arg5[%dma_start3A_10] : memref<8x!tpu.dma_semaphore, #tpu.memory_space<semaphore_mem>> -> memref<1x!tpu.dma_semaphore, #tpu.memory_space<semaphore_mem>>
    %dma_start3A_12 = tpu.memref_squeeze %dma_start3A_11 : memref<1x!tpu.dma_semaphore, #tpu.memory_space<semaphore_mem>> -> memref<!tpu.dma_semaphore, #tpu.memory_space<semaphore_mem>>
    %dma_start3A_13 = arith.constant 39 : i32
    %dma_start3A_14 = arith.constant 0 : i32
    %dma_start3A_15 = arith.constant 0 : i32
    %dma_start3A_16 = tpu.memref_slice %arg3[%dma_start3A_13, %dma_start3A_14, %dma_start3A_15] : memref<201x1024x128xf32, #tpu.memory_space<hbm>> -> memref<3x1024x128xf32, #tpu.memory_space<hbm>>
    tpu.enqueue_dma source(%arg4 : memref<3x1024x128xf32, #tpu.memory_space<vmem>>) target(%dma_start3A_16 : memref<3x1024x128xf32, #tpu.memory_space<hbm>>) target_semaphore(%dma_start3A_12 : memref<!tpu.dma_semaphore, #tpu.memory_space<semaphore_mem>>)
    %dma_start3A_17 = arith.constant 6 : i32
    %dma_start3A_18 = tpu.memref_slice %arg5[%dma_start3A_17] : memref<8x!tpu.dma_semaphore, #tpu.memory_space<semaphore_mem>> -> memref<1x!tpu.dma_semaphore, #tpu.memory_space<semaphore_mem>>
    %dma_start3A_19 = tpu.memref_squeeze %dma_start3A_18 : memref<1x!tpu.dma_semaphore, #tpu.memory_space<semaphore_mem>> -> memref<!tpu.dma_semaphore, #tpu.memory_space<semaphore_mem>>
    %dma_start3A_20 = arith.constant 42 : i32
    %dma_start3A_21 = arith.constant 0 : i32
    %dma_start3A_22 = arith.constant 0 : i32
    %dma_start3A_23 = tpu.memref_slice %arg3[%dma_start3A_20, %dma_start3A_21, %dma_start3A_22] : memref<201x1024x128xf32, #tpu.memory_space<hbm>> -> memref<3x1024x128xf32, #tpu.memory_space<hbm>>
    tpu.enqueue_dma source(%arg4 : memref<3x1024x128xf32, #tpu.memory_space<vmem>>) target(%dma_start3A_23 : memref<3x1024x128xf32, #tpu.memory_space<hbm>>) target_semaphore(%dma_start3A_19 : memref<!tpu.dma_semaphore, #tpu.memory_space<semaphore_mem>>)
    %dma_start3A_24 = arith.constant 7 : i32
    %dma_start3A_25 = tpu.memref_slice %arg5[%dma_start3A_24] : memref<8x!tpu.dma_semaphore, #tpu.memory_space<semaphore_mem>> -> memref<1x!tpu.dma_semaphore, #tpu.memory_space<semaphore_mem>>
    %dma_start3A_26 = tpu.memref_squeeze %dma_start3A_25 : memref<1x!tpu.dma_semaphore, #tpu.memory_space<semaphore_mem>> -> memref<!tpu.dma_semaphore, #tpu.memory_space<semaphore_mem>>
    %dma_start3A_27 = arith.constant 45 : i32
    %dma_start3A_28 = arith.constant 0 : i32
    %dma_start3A_29 = arith.constant 0 : i32
    %dma_start3A_30 = tpu.memref_slice %arg3[%dma_start3A_27, %dma_start3A_28, %dma_start3A_29] : memref<201x1024x128xf32, #tpu.memory_space<hbm>> -> memref<3x1024x128xf32, #tpu.memory_space<hbm>>
    tpu.enqueue_dma source(%arg4 : memref<3x1024x128xf32, #tpu.memory_space<vmem>>) target(%dma_start3A_30 : memref<3x1024x128xf32, #tpu.memory_space<hbm>>) target_semaphore(%dma_start3A_26 : memref<!tpu.dma_semaphore, #tpu.memory_space<semaphore_mem>>)
    %dma_start3A_31 = arith.constant 0 : i32
    %dma_start3A_32 = tpu.memref_slice %arg5[%dma_start3A_31] : memref<8x!tpu.dma_semaphore, #tpu.memory_space<semaphore_mem>> -> memref<1x!tpu.dma_semaphore, #tpu.memory_space<semaphore_mem>>
    %dma_start3A_33 = tpu.memref_squeeze %dma_start3A_32 : memref<1x!tpu.dma_semaphore, #tpu.memory_space<semaphore_mem>> -> memref<!tpu.dma_semaphore, #tpu.memory_space<semaphore_mem>>
    %dma_start3A_34 = arith.constant 48 : i32
    %dma_start3A_35 = arith.constant 0 : i32
    %dma_start3A_36 = arith.constant 0 : i32
    %dma_start3A_37 = tpu.memref_slice %arg3[%dma_start3A_34, %dma_start3A_35, %dma_start3A_36] : memref<201x1024x128xf32, #tpu.memory_space<hbm>> -> memref<3x1024x128xf32, #tpu.memory_space<hbm>>
    tpu.enqueue_dma source(%arg4 : memref<3x1024x128xf32, #tpu.memory_space<vmem>>) target(%dma_start3A_37 : memref<3x1024x128xf32, #tpu.memory_space<hbm>>) target_semaphore(%dma_start3A_33 : memref<!tpu.dma_semaphore, #tpu.memory_space<semaphore_mem>>)
    %dma_start3A_38 = arith.constant 1 : i32
    %dma_start3A_39 = tpu.memref_slice %arg5[%dma_start3A_38] : memref<8x!tpu.dma_semaphore, #tpu.memory_space<semaphore_mem>> -> memref<1x!tpu.dma_semaphore, #tpu.memory_space<semaphore_mem>>
    %dma_start3A_40 = tpu.memref_squeeze %dma_start3A_39 : memref<1x!tpu.dma_semaphore, #tpu.memory_space<semaphore_mem>> -> memref<!tpu.dma_semaphore, #tpu.memory_space<semaphore_mem>>
    %dma_start3A_41 = arith.constant 51 : i32
    %dma_start3A_42 = arith.constant 0 : i32
    %dma_start3A_43 = arith.constant 0 : i32
    %dma_start3A_44 = tpu.memref_slice %arg3[%dma_start3A_41, %dma_start3A_42, %dma_start3A_43] : memref<201x1024x128xf32, #tpu.memory_space<hbm>> -> memref<3x1024x128xf32, #tpu.memory_space<hbm>>
    tpu.enqueue_dma source(%arg4 : memref<3x1024x128xf32, #tpu.memory_space<vmem>>) target(%dma_start3A_44 : memref<3x1024x128xf32, #tpu.memory_space<hbm>>) target_semaphore(%dma_start3A_40 : memref<!tpu.dma_semaphore, #tpu.memory_space<semaphore_mem>>)
    %dma_start3A_45 = arith.constant 2 : i32
    %dma_start3A_46 = tpu.memref_slice %arg5[%dma_start3A_45] : memref<8x!tpu.dma_semaphore, #tpu.memory_space<semaphore_mem>> -> memref<1x!tpu.dma_semaphore, #tpu.memory_space<semaphore_mem>>
    %dma_start3A_47 = tpu.memref_squeeze %dma_start3A_46 : memref<1x!tpu.dma_semaphore, #tpu.memory_space<semaphore_mem>> -> memref<!tpu.dma_semaphore, #tpu.memory_space<semaphore_mem>>
    %dma_start3A_48 = arith.constant 54 : i32
    %dma_start3A_49 = arith.constant 0 : i32
    %dma_start3A_50 = arith.constant 0 : i32
    %dma_start3A_51 = tpu.memref_slice %arg3[%dma_start3A_48, %dma_start3A_49, %dma_start3A_50] : memref<201x1024x128xf32, #tpu.memory_space<hbm>> -> memref<3x1024x128xf32, #tpu.memory_space<hbm>>
    tpu.enqueue_dma source(%arg4 : memref<3x1024x128xf32, #tpu.memory_space<vmem>>) target(%dma_start3A_51 : memref<3x1024x128xf32, #tpu.memory_space<hbm>>) target_semaphore(%dma_start3A_47 : memref<!tpu.dma_semaphore, #tpu.memory_space<semaphore_mem>>)
    %dma_start3A_52 = arith.constant 3 : i32
    %dma_start3A_53 = tpu.memref_slice %arg5[%dma_start3A_52] : memref<8x!tpu.dma_semaphore, #tpu.memory_space<semaphore_mem>> -> memref<1x!tpu.dma_semaphore, #tpu.memory_space<semaphore_mem>>
    %dma_start3A_54 = tpu.memref_squeeze %dma_start3A_53 : memref<1x!tpu.dma_semaphore, #tpu.memory_space<semaphore_mem>> -> memref<!tpu.dma_semaphore, #tpu.memory_space<semaphore_mem>>
    %dma_start3A_55 = arith.constant 57 : i32
    %dma_start3A_56 = arith.constant 0 : i32
    %dma_start3A_57 = arith.constant 0 : i32
    %dma_start3A_58 = tpu.memref_slice %arg3[%dma_start3A_55, %dma_start3A_56, %dma_start3A_57] : memref<201x1024x128xf32, #tpu.memory_space<hbm>> -> memref<3x1024x128xf32, #tpu.memory_space<hbm>>
    tpu.enqueue_dma source(%arg4 : memref<3x1024x128xf32, #tpu.memory_space<vmem>>) target(%dma_start3A_58 : memref<3x1024x128xf32, #tpu.memory_space<hbm>>) target_semaphore(%dma_start3A_54 : memref<!tpu.dma_semaphore, #tpu.memory_space<semaphore_mem>>)
    %dma_start3A_59 = arith.constant 4 : i32
    %dma_start3A_60 = tpu.memref_slice %arg5[%dma_start3A_59] : memref<8x!tpu.dma_semaphore, #tpu.memory_space<semaphore_mem>> -> memref<1x!tpu.dma_semaphore, #tpu.memory_space<semaphore_mem>>
    %dma_start3A_61 = tpu.memref_squeeze %dma_start3A_60 : memref<1x!tpu.dma_semaphore, #tpu.memory_space<semaphore_mem>> -> memref<!tpu.dma_semaphore, #tpu.memory_space<semaphore_mem>>
    %dma_start3A_62 = arith.constant 60 : i32
    %dma_start3A_63 = arith.constant 0 : i32
    %dma_start3A_64 = arith.constant 0 : i32
    %dma_start3A_65 = tpu.memref_slice %arg3[%dma_start3A_62, %dma_start3A_63, %dma_start3A_64] : memref<201x1024x128xf32, #tpu.memory_space<hbm>> -> memref<3x1024x128xf32, #tpu.memory_space<hbm>>
    tpu.enqueue_dma source(%arg4 : memref<3x1024x128xf32, #tpu.memory_space<vmem>>) target(%dma_start3A_65 : memref<3x1024x128xf32, #tpu.memory_space<hbm>>) target_semaphore(%dma_start3A_61 : memref<!tpu.dma_semaphore, #tpu.memory_space<semaphore_mem>>)
    %dma_start3A_66 = arith.constant 5 : i32
    %dma_start3A_67 = tpu.memref_slice %arg5[%dma_start3A_66] : memref<8x!tpu.dma_semaphore, #tpu.memory_space<semaphore_mem>> -> memref<1x!tpu.dma_semaphore, #tpu.memory_space<semaphore_mem>>
    %dma_start3A_68 = tpu.memref_squeeze %dma_start3A_67 : memref<1x!tpu.dma_semaphore, #tpu.memory_space<semaphore_mem>> -> memref<!tpu.dma_semaphore, #tpu.memory_space<semaphore_mem>>
    %dma_start3A_69 = arith.constant 63 : i32
    %dma_start3A_70 = arith.constant 0 : i32
    %dma_start3A_71 = arith.constant 0 : i32
    %dma_start3A_72 = tpu.memref_slice %arg3[%dma_start3A_69, %dma_start3A_70, %dma_start3A_71] : memref<201x1024x128xf32, #tpu.memory_space<hbm>> -> memref<3x1024x128xf32, #tpu.memory_space<hbm>>
    tpu.enqueue_dma source(%arg4 : memref<3x1024x128xf32, #tpu.memory_space<vmem>>) target(%dma_start3A_72 : memref<3x1024x128xf32, #tpu.memory_space<hbm>>) target_semaphore(%dma_start3A_68 : memref<!tpu.dma_semaphore, #tpu.memory_space<semaphore_mem>>)
    %dma_start3A_73 = arith.constant 6 : i32
    %dma_start3A_74 = tpu.memref_slice %arg5[%dma_start3A_73] : memref<8x!tpu.dma_semaphore, #tpu.memory_space<semaphore_mem>> -> memref<1x!tpu.dma_semaphore, #tpu.memory_space<semaphore_mem>>
    %dma_start3A_75 = tpu.memref_squeeze %dma_start3A_74 : memref<1x!tpu.dma_semaphore, #tpu.memory_space<semaphore_mem>> -> memref<!tpu.dma_semaphore, #tpu.memory_space<semaphore_mem>>
    %dma_start3A_76 = arith.constant 66 : i32
    %dma_start3A_77 = arith.constant 0 : i32
    %dma_start3A_78 = arith.constant 0 : i32
    %dma_start3A_79 = tpu.memref_slice %arg3[%dma_start3A_76, %dma_start3A_77, %dma_start3A_78] : memref<201x1024x128xf32, #tpu.memory_space<hbm>> -> memref<3x1024x128xf32, #tpu.memory_space<hbm>>
    tpu.enqueue_dma source(%arg4 : memref<3x1024x128xf32, #tpu.memory_space<vmem>>) target(%dma_start3A_79 : memref<3x1024x128xf32, #tpu.memory_space<hbm>>) target_semaphore(%dma_start3A_75 : memref<!tpu.dma_semaphore, #tpu.memory_space<semaphore_mem>>)
    %dma_start3A_80 = arith.constant 7 : i32
    %dma_start3A_81 = tpu.memref_slice %arg5[%dma_start3A_80] : memref<8x!tpu.dma_semaphore, #tpu.memory_space<semaphore_mem>> -> memref<1x!tpu.dma_semaphore, #tpu.memory_space<semaphore_mem>>
    %dma_start3A_82 = tpu.memref_squeeze %dma_start3A_81 : memref<1x!tpu.dma_semaphore, #tpu.memory_space<semaphore_mem>> -> memref<!tpu.dma_semaphore, #tpu.memory_space<semaphore_mem>>
    %dma_start3A_83 = arith.constant 69 : i32
    %dma_start3A_84 = arith.constant 0 : i32
    %dma_start3A_85 = arith.constant 0 : i32
    %dma_start3A_86 = tpu.memref_slice %arg3[%dma_start3A_83, %dma_start3A_84, %dma_start3A_85] : memref<201x1024x128xf32, #tpu.memory_space<hbm>> -> memref<3x1024x128xf32, #tpu.memory_space<hbm>>
    tpu.enqueue_dma source(%arg4 : memref<3x1024x128xf32, #tpu.memory_space<vmem>>) target(%dma_start3A_86 : memref<3x1024x128xf32, #tpu.memory_space<hbm>>) target_semaphore(%dma_start3A_82 : memref<!tpu.dma_semaphore, #tpu.memory_space<semaphore_mem>>)
    %dma_start3A_87 = arith.constant 0 : i32
    %dma_start3A_88 = tpu.memref_slice %arg5[%dma_start3A_87] : memref<8x!tpu.dma_semaphore, #tpu.memory_space<semaphore_mem>> -> memref<1x!tpu.dma_semaphore, #tpu.memory_space<semaphore_mem>>
    %dma_start3A_89 = tpu.memref_squeeze %dma_start3A_88 : memref<1x!tpu.dma_semaphore, #tpu.memory_space<semaphore_mem>> -> memref<!tpu.dma_semaphore, #tpu.memory_space<semaphore_mem>>
    %dma_start3A_90 = arith.constant 72 : i32
    %dma_start3A_91 = arith.constant 0 : i32
    %dma_start3A_92 = arith.constant 0 : i32
    %dma_start3A_93 = tpu.memref_slice %arg3[%dma_start3A_90, %dma_start3A_91, %dma_start3A_92] : memref<201x1024x128xf32, #tpu.memory_space<hbm>> -> memref<3x1024x128xf32, #tpu.memory_space<hbm>>
    tpu.enqueue_dma source(%arg4 : memref<3x1024x128xf32, #tpu.memory_space<vmem>>) target(%dma_start3A_93 : memref<3x1024x128xf32, #tpu.memory_space<hbm>>) target_semaphore(%dma_start3A_89 : memref<!tpu.dma_semaphore, #tpu.memory_space<semaphore_mem>>)
    %dma_start3A_94 = arith.constant 1 : i32
    %dma_start3A_95 = tpu.memref_slice %arg5[%dma_start3A_94] : memref<8x!tpu.dma_semaphore, #tpu.memory_space<semaphore_mem>> -> memref<1x!tpu.dma_semaphore, #tpu.memory_space<semaphore_mem>>
    %dma_start3A_96 = tpu.memref_squeeze %dma_start3A_95 : memref<1x!tpu.dma_semaphore, #tpu.memory_space<semaphore_mem>> -> memref<!tpu.dma_semaphore, #tpu.memory_space<semaphore_mem>>
    %dma_start3A_97 = arith.constant 75 : i32
    %dma_start3A_98 = arith.constant 0 : i32
    %dma_start3A_99 = arith.constant 0 : i32
    %dma_start3A_100 = tpu.memref_slice %arg3[%dma_start3A_97, %dma_start3A_98, %dma_start3A_99] : memref<201x1024x128xf32, #tpu.memory_space<hbm>> -> memref<3x1024x128xf32, #tpu.memory_space<hbm>>
    tpu.enqueue_dma source(%arg4 : memref<3x1024x128xf32, #tpu.memory_space<vmem>>) target(%dma_start3A_100 : memref<3x1024x128xf32, #tpu.memory_space<hbm>>) target_semaphore(%dma_start3A_96 : memref<!tpu.dma_semaphore, #tpu.memory_space<semaphore_mem>>)
    %dma_start3A_101 = arith.constant 2 : i32
    %dma_start3A_102 = tpu.memref_slice %arg5[%dma_start3A_101] : memref<8x!tpu.dma_semaphore, #tpu.memory_space<semaphore_mem>> -> memref<1x!tpu.dma_semaphore, #tpu.memory_space<semaphore_mem>>
    %dma_start3A_103 = tpu.memref_squeeze %dma_start3A_102 : memref<1x!tpu.dma_semaphore, #tpu.memory_space<semaphore_mem>> -> memref<!tpu.dma_semaphore, #tpu.memory_space<semaphore_mem>>
    %dma_start3A_104 = arith.constant 78 : i32
    %dma_start3A_105 = arith.constant 0 : i32
    %dma_start3A_106 = arith.constant 0 : i32
    %dma_start3A_107 = tpu.memref_slice %arg3[%dma_start3A_104, %dma_start3A_105, %dma_start3A_106] : memref<201x1024x128xf32, #tpu.memory_space<hbm>> -> memref<3x1024x128xf32, #tpu.memory_space<hbm>>
    tpu.enqueue_dma source(%arg4 : memref<3x1024x128xf32, #tpu.memory_space<vmem>>) target(%dma_start3A_107 : memref<3x1024x128xf32, #tpu.memory_space<hbm>>) target_semaphore(%dma_start3A_103 : memref<!tpu.dma_semaphore, #tpu.memory_space<semaphore_mem>>)
    %dma_start3A_108 = arith.constant 3 : i32
    %dma_start3A_109 = tpu.memref_slice %arg5[%dma_start3A_108] : memref<8x!tpu.dma_semaphore, #tpu.memory_space<semaphore_mem>> -> memref<1x!tpu.dma_semaphore, #tpu.memory_space<semaphore_mem>>
    %dma_start3A_110 = tpu.memref_squeeze %dma_start3A_109 : memref<1x!tpu.dma_semaphore, #tpu.memory_space<semaphore_mem>> -> memref<!tpu.dma_semaphore, #tpu.memory_space<semaphore_mem>>
    %dma_start3A_111 = arith.constant 81 : i32
    %dma_start3A_112 = arith.constant 0 : i32
    %dma_start3A_113 = arith.constant 0 : i32
    %dma_start3A_114 = tpu.memref_slice %arg3[%dma_start3A_111, %dma_start3A_112, %dma_start3A_113] : memref<201x1024x128xf32, #tpu.memory_space<hbm>> -> memref<3x1024x128xf32, #tpu.memory_space<hbm>>
    tpu.enqueue_dma source(%arg4 : memref<3x1024x128xf32, #tpu.memory_space<vmem>>) target(%dma_start3A_114 : memref<3x1024x128xf32, #tpu.memory_space<hbm>>) target_semaphore(%dma_start3A_110 : memref<!tpu.dma_semaphore, #tpu.memory_space<semaphore_mem>>)
    %dma_start3A_115 = arith.constant 4 : i32
    %dma_start3A_116 = tpu.memref_slice %arg5[%dma_start3A_115] : memref<8x!tpu.dma_semaphore, #tpu.memory_space<semaphore_mem>> -> memref<1x!tpu.dma_semaphore, #tpu.memory_space<semaphore_mem>>
    %dma_start3A_117 = tpu.memref_squeeze %dma_start3A_116 : memref<1x!tpu.dma_semaphore, #tpu.memory_space<semaphore_mem>> -> memref<!tpu.dma_semaphore, #tpu.memory_space<semaphore_mem>>
    %dma_start3A_118 = arith.constant 84 : i32
    %dma_start3A_119 = arith.constant 0 : i32
    %dma_start3A_120 = arith.constant 0 : i32
    %dma_start3A_121 = tpu.memref_slice %arg3[%dma_start3A_118, %dma_start3A_119, %dma_start3A_120] : memref<201x1024x128xf32, #tpu.memory_space<hbm>> -> memref<3x1024x128xf32, #tpu.memory_space<hbm>>
    tpu.enqueue_dma source(%arg4 : memref<3x1024x128xf32, #tpu.memory_space<vmem>>) target(%dma_start3A_121 : memref<3x1024x128xf32, #tpu.memory_space<hbm>>) target_semaphore(%dma_start3A_117 : memref<!tpu.dma_semaphore, #tpu.memory_space<semaphore_mem>>)
    %dma_start3A_122 = arith.constant 5 : i32
    %dma_start3A_123 = tpu.memref_slice %arg5[%dma_start3A_122] : memref<8x!tpu.dma_semaphore, #tpu.memory_space<semaphore_mem>> -> memref<1x!tpu.dma_semaphore, #tpu.memory_space<semaphore_mem>>
    %dma_start3A_124 = tpu.memref_squeeze %dma_start3A_123 : memref<1x!tpu.dma_semaphore, #tpu.memory_space<semaphore_mem>> -> memref<!tpu.dma_semaphore, #tpu.memory_space<semaphore_mem>>
    %dma_start3A_125 = arith.constant 87 : i32
    %dma_start3A_126 = arith.constant 0 : i32
    %dma_start3A_127 = arith.constant 0 : i32
    %dma_start3A_128 = tpu.memref_slice %arg3[%dma_start3A_125, %dma_start3A_126, %dma_start3A_127] : memref<201x1024x128xf32, #tpu.memory_space<hbm>> -> memref<3x1024x128xf32, #tpu.memory_space<hbm>>
    tpu.enqueue_dma source(%arg4 : memref<3x1024x128xf32, #tpu.memory_space<vmem>>) target(%dma_start3A_128 : memref<3x1024x128xf32, #tpu.memory_space<hbm>>) target_semaphore(%dma_start3A_124 : memref<!tpu.dma_semaphore, #tpu.memory_space<semaphore_mem>>)
    %dma_start3A_129 = arith.constant 6 : i32
    %dma_start3A_130 = tpu.memref_slice %arg5[%dma_start3A_129] : memref<8x!tpu.dma_semaphore, #tpu.memory_space<semaphore_mem>> -> memref<1x!tpu.dma_semaphore, #tpu.memory_space<semaphore_mem>>
    %dma_start3A_131 = tpu.memref_squeeze %dma_start3A_130 : memref<1x!tpu.dma_semaphore, #tpu.memory_space<semaphore_mem>> -> memref<!tpu.dma_semaphore, #tpu.memory_space<semaphore_mem>>
    %dma_start3A_132 = arith.constant 90 : i32
    %dma_start3A_133 = arith.constant 0 : i32
    %dma_start3A_134 = arith.constant 0 : i32
    %dma_start3A_135 = tpu.memref_slice %arg3[%dma_start3A_132, %dma_start3A_133, %dma_start3A_134] : memref<201x1024x128xf32, #tpu.memory_space<hbm>> -> memref<3x1024x128xf32, #tpu.memory_space<hbm>>
    tpu.enqueue_dma source(%arg4 : memref<3x1024x128xf32, #tpu.memory_space<vmem>>) target(%dma_start3A_135 : memref<3x1024x128xf32, #tpu.memory_space<hbm>>) target_semaphore(%dma_start3A_131 : memref<!tpu.dma_semaphore, #tpu.memory_space<semaphore_mem>>)
    %dma_start3A_136 = arith.constant 7 : i32
    %dma_start3A_137 = tpu.memref_slice %arg5[%dma_start3A_136] : memref<8x!tpu.dma_semaphore, #tpu.memory_space<semaphore_mem>> -> memref<1x!tpu.dma_semaphore, #tpu.memory_space<semaphore_mem>>
    %dma_start3A_138 = tpu.memref_squeeze %dma_start3A_137 : memref<1x!tpu.dma_semaphore, #tpu.memory_space<semaphore_mem>> -> memref<!tpu.dma_semaphore, #tpu.memory_space<semaphore_mem>>
    %dma_start3A_139 = arith.constant 93 : i32
    %dma_start3A_140 = arith.constant 0 : i32
    %dma_start3A_141 = arith.constant 0 : i32
    %dma_start3A_142 = tpu.memref_slice %arg3[%dma_start3A_139, %dma_start3A_140, %dma_start3A_141] : memref<201x1024x128xf32, #tpu.memory_space<hbm>> -> memref<3x1024x128xf32, #tpu.memory_space<hbm>>
    tpu.enqueue_dma source(%arg4 : memref<3x1024x128xf32, #tpu.memory_space<vmem>>) target(%dma_start3A_142 : memref<3x1024x128xf32, #tpu.memory_space<hbm>>) target_semaphore(%dma_start3A_138 : memref<!tpu.dma_semaphore, #tpu.memory_space<semaphore_mem>>)
    %dma_start3A_143 = arith.constant 0 : i32
    %dma_start3A_144 = tpu.memref_slice %arg5[%dma_start3A_143] : memref<8x!tpu.dma_semaphore, #tpu.memory_space<semaphore_mem>> -> memref<1x!tpu.dma_semaphore, #tpu.memory_space<semaphore_mem>>
    %dma_start3A_145 = tpu.memref_squeeze %dma_start3A_144 : memref<1x!tpu.dma_semaphore, #tpu.memory_space<semaphore_mem>> -> memref<!tpu.dma_semaphore, #tpu.memory_space<semaphore_mem>>
    %dma_start3A_146 = arith.constant 96 : i32
    %dma_start3A_147 = arith.constant 0 : i32
    %dma_start3A_148 = arith.constant 0 : i32
    %dma_start3A_149 = tpu.memref_slice %arg3[%dma_start3A_146, %dma_start3A_147, %dma_start3A_148] : memref<201x1024x128xf32, #tpu.memory_space<hbm>> -> memref<3x1024x128xf32, #tpu.memory_space<hbm>>
    tpu.enqueue_dma source(%arg4 : memref<3x1024x128xf32, #tpu.memory_space<vmem>>) target(%dma_start3A_149 : memref<3x1024x128xf32, #tpu.memory_space<hbm>>) target_semaphore(%dma_start3A_145 : memref<!tpu.dma_semaphore, #tpu.memory_space<semaphore_mem>>)
    %dma_start3A_150 = arith.constant 1 : i32
    %dma_start3A_151 = tpu.memref_slice %arg5[%dma_start3A_150] : memref<8x!tpu.dma_semaphore, #tpu.memory_space<semaphore_mem>> -> memref<1x!tpu.dma_semaphore, #tpu.memory_space<semaphore_mem>>
    %dma_start3A_152 = tpu.memref_squeeze %dma_start3A_151 : memref<1x!tpu.dma_semaphore, #tpu.memory_space<semaphore_mem>> -> memref<!tpu.dma_semaphore, #tpu.memory_space<semaphore_mem>>
    %dma_start3A_153 = arith.constant 99 : i32
    %dma_start3A_154 = arith.constant 0 : i32
    %dma_start3A_155 = arith.constant 0 : i32
    %dma_start3A_156 = tpu.memref_slice %arg3[%dma_start3A_153, %dma_start3A_154, %dma_start3A_155] : memref<201x1024x128xf32, #tpu.memory_space<hbm>> -> memref<3x1024x128xf32, #tpu.memory_space<hbm>>
    tpu.enqueue_dma source(%arg4 : memref<3x1024x128xf32, #tpu.memory_space<vmem>>) target(%dma_start3A_156 : memref<3x1024x128xf32, #tpu.memory_space<hbm>>) target_semaphore(%dma_start3A_152 : memref<!tpu.dma_semaphore, #tpu.memory_space<semaphore_mem>>)
    %dma_start3A_157 = arith.constant 2 : i32
    %dma_start3A_158 = tpu.memref_slice %arg5[%dma_start3A_157] : memref<8x!tpu.dma_semaphore, #tpu.memory_space<semaphore_mem>> -> memref<1x!tpu.dma_semaphore, #tpu.memory_space<semaphore_mem>>
    %dma_start3A_159 = tpu.memref_squeeze %dma_start3A_158 : memref<1x!tpu.dma_semaphore, #tpu.memory_space<semaphore_mem>> -> memref<!tpu.dma_semaphore, #tpu.memory_space<semaphore_mem>>
    %dma_start3A_160 = arith.constant 102 : i32
    %dma_start3A_161 = arith.constant 0 : i32
    %dma_start3A_162 = arith.constant 0 : i32
    %dma_start3A_163 = tpu.memref_slice %arg3[%dma_start3A_160, %dma_start3A_161, %dma_start3A_162] : memref<201x1024x128xf32, #tpu.memory_space<hbm>> -> memref<3x1024x128xf32, #tpu.memory_space<hbm>>
    tpu.enqueue_dma source(%arg4 : memref<3x1024x128xf32, #tpu.memory_space<vmem>>) target(%dma_start3A_163 : memref<3x1024x128xf32, #tpu.memory_space<hbm>>) target_semaphore(%dma_start3A_159 : memref<!tpu.dma_semaphore, #tpu.memory_space<semaphore_mem>>)
    %dma_start3A_164 = arith.constant 3 : i32
    %dma_start3A_165 = tpu.memref_slice %arg5[%dma_start3A_164] : memref<8x!tpu.dma_semaphore, #tpu.memory_space<semaphore_mem>> -> memref<1x!tpu.dma_semaphore, #tpu.memory_space<semaphore_mem>>
    %dma_start3A_166 = tpu.memref_squeeze %dma_start3A_165 : memref<1x!tpu.dma_semaphore, #tpu.memory_space<semaphore_mem>> -> memref<!tpu.dma_semaphore, #tpu.memory_space<semaphore_mem>>
    %dma_start3A_167 = arith.constant 105 : i32
    %dma_start3A_168 = arith.constant 0 : i32
    %dma_start3A_169 = arith.constant 0 : i32
    %dma_start3A_170 = tpu.memref_slice %arg3[%dma_start3A_167, %dma_start3A_168, %dma_start3A_169] : memref<201x1024x128xf32, #tpu.memory_space<hbm>> -> memref<3x1024x128xf32, #tpu.memory_space<hbm>>
    tpu.enqueue_dma source(%arg4 : memref<3x1024x128xf32, #tpu.memory_space<vmem>>) target(%dma_start3A_170 : memref<3x1024x128xf32, #tpu.memory_space<hbm>>) target_semaphore(%dma_start3A_166 : memref<!tpu.dma_semaphore, #tpu.memory_space<semaphore_mem>>)
    %dma_start3A_171 = arith.constant 4 : i32
    %dma_start3A_172 = tpu.memref_slice %arg5[%dma_start3A_171] : memref<8x!tpu.dma_semaphore, #tpu.memory_space<semaphore_mem>> -> memref<1x!tpu.dma_semaphore, #tpu.memory_space<semaphore_mem>>
    %dma_start3A_173 = tpu.memref_squeeze %dma_start3A_172 : memref<1x!tpu.dma_semaphore, #tpu.memory_space<semaphore_mem>> -> memref<!tpu.dma_semaphore, #tpu.memory_space<semaphore_mem>>
    %dma_start3A_174 = arith.constant 108 : i32
    %dma_start3A_175 = arith.constant 0 : i32
    %dma_start3A_176 = arith.constant 0 : i32
    %dma_start3A_177 = tpu.memref_slice %arg3[%dma_start3A_174, %dma_start3A_175, %dma_start3A_176] : memref<201x1024x128xf32, #tpu.memory_space<hbm>> -> memref<3x1024x128xf32, #tpu.memory_space<hbm>>
    tpu.enqueue_dma source(%arg4 : memref<3x1024x128xf32, #tpu.memory_space<vmem>>) target(%dma_start3A_177 : memref<3x1024x128xf32, #tpu.memory_space<hbm>>) target_semaphore(%dma_start3A_173 : memref<!tpu.dma_semaphore, #tpu.memory_space<semaphore_mem>>)
    %dma_start3A_178 = arith.constant 5 : i32
    %dma_start3A_179 = tpu.memref_slice %arg5[%dma_start3A_178] : memref<8x!tpu.dma_semaphore, #tpu.memory_space<semaphore_mem>> -> memref<1x!tpu.dma_semaphore, #tpu.memory_space<semaphore_mem>>
    %dma_start3A_180 = tpu.memref_squeeze %dma_start3A_179 : memref<1x!tpu.dma_semaphore, #tpu.memory_space<semaphore_mem>> -> memref<!tpu.dma_semaphore, #tpu.memory_space<semaphore_mem>>
    %dma_start3A_181 = arith.constant 111 : i32
    %dma_start3A_182 = arith.constant 0 : i32
    %dma_start3A_183 = arith.constant 0 : i32
    %dma_start3A_184 = tpu.memref_slice %arg3[%dma_start3A_181, %dma_start3A_182, %dma_start3A_183] : memref<201x1024x128xf32, #tpu.memory_space<hbm>> -> memref<3x1024x128xf32, #tpu.memory_space<hbm>>
    tpu.enqueue_dma source(%arg4 : memref<3x1024x128xf32, #tpu.memory_space<vmem>>) target(%dma_start3A_184 : memref<3x1024x128xf32, #tpu.memory_space<hbm>>) target_semaphore(%dma_start3A_180 : memref<!tpu.dma_semaphore, #tpu.memory_space<semaphore_mem>>)
    %dma_start3A_185 = arith.constant 6 : i32
    %dma_start3A_186 = tpu.memref_slice %arg5[%dma_start3A_185] : memref<8x!tpu.dma_semaphore, #tpu.memory_space<semaphore_mem>> -> memref<1x!tpu.dma_semaphore, #tpu.memory_space<semaphore_mem>>
    %dma_start3A_187 = tpu.memref_squeeze %dma_start3A_186 : memref<1x!tpu.dma_semaphore, #tpu.memory_space<semaphore_mem>> -> memref<!tpu.dma_semaphore, #tpu.memory_space<semaphore_mem>>
    %dma_start3A_188 = arith.constant 114 : i32
    %dma_start3A_189 = arith.constant 0 : i32
    %dma_start3A_190 = arith.constant 0 : i32
    %dma_start3A_191 = tpu.memref_slice %arg3[%dma_start3A_188, %dma_start3A_189, %dma_start3A_190] : memref<201x1024x128xf32, #tpu.memory_space<hbm>> -> memref<3x1024x128xf32, #tpu.memory_space<hbm>>
    tpu.enqueue_dma source(%arg4 : memref<3x1024x128xf32, #tpu.memory_space<vmem>>) target(%dma_start3A_191 : memref<3x1024x128xf32, #tpu.memory_space<hbm>>) target_semaphore(%dma_start3A_187 : memref<!tpu.dma_semaphore, #tpu.memory_space<semaphore_mem>>)
    %dma_start3A_192 = arith.constant 7 : i32
    %dma_start3A_193 = tpu.memref_slice %arg5[%dma_start3A_192] : memref<8x!tpu.dma_semaphore, #tpu.memory_space<semaphore_mem>> -> memref<1x!tpu.dma_semaphore, #tpu.memory_space<semaphore_mem>>
    %dma_start3A_194 = tpu.memref_squeeze %dma_start3A_193 : memref<1x!tpu.dma_semaphore, #tpu.memory_space<semaphore_mem>> -> memref<!tpu.dma_semaphore, #tpu.memory_space<semaphore_mem>>
    %dma_start3A_195 = arith.constant 117 : i32
    %dma_start3A_196 = arith.constant 0 : i32
    %dma_start3A_197 = arith.constant 0 : i32
    %dma_start3A_198 = tpu.memref_slice %arg3[%dma_start3A_195, %dma_start3A_196, %dma_start3A_197] : memref<201x1024x128xf32, #tpu.memory_space<hbm>> -> memref<3x1024x128xf32, #tpu.memory_space<hbm>>
    tpu.enqueue_dma source(%arg4 : memref<3x1024x128xf32, #tpu.memory_space<vmem>>) target(%dma_start3A_198 : memref<3x1024x128xf32, #tpu.memory_space<hbm>>) target_semaphore(%dma_start3A_194 : memref<!tpu.dma_semaphore, #tpu.memory_space<semaphore_mem>>)
    %dma_start3A_199 = arith.constant 0 : i32
    %dma_start3A_200 = tpu.memref_slice %arg5[%dma_start3A_199] : memref<8x!tpu.dma_semaphore, #tpu.memory_space<semaphore_mem>> -> memref<1x!tpu.dma_semaphore, #tpu.memory_space<semaphore_mem>>
    %dma_start3A_201 = tpu.memref_squeeze %dma_start3A_200 : memref<1x!tpu.dma_semaphore, #tpu.memory_space<semaphore_mem>> -> memref<!tpu.dma_semaphore, #tpu.memory_space<semaphore_mem>>
    %dma_start3A_202 = arith.constant 120 : i32
    %dma_start3A_203 = arith.constant 0 : i32
    %dma_start3A_204 = arith.constant 0 : i32
    %dma_start3A_205 = tpu.memref_slice %arg3[%dma_start3A_202, %dma_start3A_203, %dma_start3A_204] : memref<201x1024x128xf32, #tpu.memory_space<hbm>> -> memref<3x1024x128xf32, #tpu.memory_space<hbm>>
    tpu.enqueue_dma source(%arg4 : memref<3x1024x128xf32, #tpu.memory_space<vmem>>) target(%dma_start3A_205 : memref<3x1024x128xf32, #tpu.memory_space<hbm>>) target_semaphore(%dma_start3A_201 : memref<!tpu.dma_semaphore, #tpu.memory_space<semaphore_mem>>)
    %dma_start3A_206 = arith.constant 1 : i32
    %dma_start3A_207 = tpu.memref_slice %arg5[%dma_start3A_206] : memref<8x!tpu.dma_semaphore, #tpu.memory_space<semaphore_mem>> -> memref<1x!tpu.dma_semaphore, #tpu.memory_space<semaphore_mem>>
    %dma_start3A_208 = tpu.memref_squeeze %dma_start3A_207 : memref<1x!tpu.dma_semaphore, #tpu.memory_space<semaphore_mem>> -> memref<!tpu.dma_semaphore, #tpu.memory_space<semaphore_mem>>
    %dma_start3A_209 = arith.constant 123 : i32
    %dma_start3A_210 = arith.constant 0 : i32
    %dma_start3A_211 = arith.constant 0 : i32
    %dma_start3A_212 = tpu.memref_slice %arg3[%dma_start3A_209, %dma_start3A_210, %dma_start3A_211] : memref<201x1024x128xf32, #tpu.memory_space<hbm>> -> memref<3x1024x128xf32, #tpu.memory_space<hbm>>
    tpu.enqueue_dma source(%arg4 : memref<3x1024x128xf32, #tpu.memory_space<vmem>>) target(%dma_start3A_212 : memref<3x1024x128xf32, #tpu.memory_space<hbm>>) target_semaphore(%dma_start3A_208 : memref<!tpu.dma_semaphore, #tpu.memory_space<semaphore_mem>>)
    %dma_start3A_213 = arith.constant 2 : i32
    %dma_start3A_214 = tpu.memref_slice %arg5[%dma_start3A_213] : memref<8x!tpu.dma_semaphore, #tpu.memory_space<semaphore_mem>> -> memref<1x!tpu.dma_semaphore, #tpu.memory_space<semaphore_mem>>
    %dma_start3A_215 = tpu.memref_squeeze %dma_start3A_214 : memref<1x!tpu.dma_semaphore, #tpu.memory_space<semaphore_mem>> -> memref<!tpu.dma_semaphore, #tpu.memory_space<semaphore_mem>>
    %dma_start3A_216 = arith.constant 126 : i32
    %dma_start3A_217 = arith.constant 0 : i32
    %dma_start3A_218 = arith.constant 0 : i32
    %dma_start3A_219 = tpu.memref_slice %arg3[%dma_start3A_216, %dma_start3A_217, %dma_start3A_218] : memref<201x1024x128xf32, #tpu.memory_space<hbm>> -> memref<3x1024x128xf32, #tpu.memory_space<hbm>>
    tpu.enqueue_dma source(%arg4 : memref<3x1024x128xf32, #tpu.memory_space<vmem>>) target(%dma_start3A_219 : memref<3x1024x128xf32, #tpu.memory_space<hbm>>) target_semaphore(%dma_start3A_215 : memref<!tpu.dma_semaphore, #tpu.memory_space<semaphore_mem>>)
    %dma_start3A_220 = arith.constant 3 : i32
    %dma_start3A_221 = tpu.memref_slice %arg5[%dma_start3A_220] : memref<8x!tpu.dma_semaphore, #tpu.memory_space<semaphore_mem>> -> memref<1x!tpu.dma_semaphore, #tpu.memory_space<semaphore_mem>>
    %dma_start3A_222 = tpu.memref_squeeze %dma_start3A_221 : memref<1x!tpu.dma_semaphore, #tpu.memory_space<semaphore_mem>> -> memref<!tpu.dma_semaphore, #tpu.memory_space<semaphore_mem>>
    %dma_start3A_223 = arith.constant 129 : i32
    %dma_start3A_224 = arith.constant 0 : i32
    %dma_start3A_225 = arith.constant 0 : i32
    %dma_start3A_226 = tpu.memref_slice %arg3[%dma_start3A_223, %dma_start3A_224, %dma_start3A_225] : memref<201x1024x128xf32, #tpu.memory_space<hbm>> -> memref<3x1024x128xf32, #tpu.memory_space<hbm>>
    tpu.enqueue_dma source(%arg4 : memref<3x1024x128xf32, #tpu.memory_space<vmem>>) target(%dma_start3A_226 : memref<3x1024x128xf32, #tpu.memory_space<hbm>>) target_semaphore(%dma_start3A_222 : memref<!tpu.dma_semaphore, #tpu.memory_space<semaphore_mem>>)
    %dma_start3A_227 = arith.constant 4 : i32
    %dma_start3A_228 = tpu.memref_slice %arg5[%dma_start3A_227] : memref<8x!tpu.dma_semaphore, #tpu.memory_space<semaphore_mem>> -> memref<1x!tpu.dma_semaphore, #tpu.memory_space<semaphore_mem>>
    %dma_start3A_229 = tpu.memref_squeeze %dma_start3A_228 : memref<1x!tpu.dma_semaphore, #tpu.memory_space<semaphore_mem>> -> memref<!tpu.dma_semaphore, #tpu.memory_space<semaphore_mem>>
    %dma_start3A_230 = arith.constant 132 : i32
    %dma_start3A_231 = arith.constant 0 : i32
    %dma_start3A_232 = arith.constant 0 : i32
    %dma_start3A_233 = tpu.memref_slice %arg3[%dma_start3A_230, %dma_start3A_231, %dma_start3A_232] : memref<201x1024x128xf32, #tpu.memory_space<hbm>> -> memref<3x1024x128xf32, #tpu.memory_space<hbm>>
    tpu.enqueue_dma source(%arg4 : memref<3x1024x128xf32, #tpu.memory_space<vmem>>) target(%dma_start3A_233 : memref<3x1024x128xf32, #tpu.memory_space<hbm>>) target_semaphore(%dma_start3A_229 : memref<!tpu.dma_semaphore, #tpu.memory_space<semaphore_mem>>)
    %dma_start3A_234 = arith.constant 5 : i32
    %dma_start3A_235 = tpu.memref_slice %arg5[%dma_start3A_234] : memref<8x!tpu.dma_semaphore, #tpu.memory_space<semaphore_mem>> -> memref<1x!tpu.dma_semaphore, #tpu.memory_space<semaphore_mem>>
    %dma_start3A_236 = tpu.memref_squeeze %dma_start3A_235 : memref<1x!tpu.dma_semaphore, #tpu.memory_space<semaphore_mem>> -> memref<!tpu.dma_semaphore, #tpu.memory_space<semaphore_mem>>
    %dma_start3A_237 = arith.constant 135 : i32
    %dma_start3A_238 = arith.constant 0 : i32
    %dma_start3A_239 = arith.constant 0 : i32
    %dma_start3A_240 = tpu.memref_slice %arg3[%dma_start3A_237, %dma_start3A_238, %dma_start3A_239] : memref<201x1024x128xf32, #tpu.memory_space<hbm>> -> memref<3x1024x128xf32, #tpu.memory_space<hbm>>
    tpu.enqueue_dma source(%arg4 : memref<3x1024x128xf32, #tpu.memory_space<vmem>>) target(%dma_start3A_240 : memref<3x1024x128xf32, #tpu.memory_space<hbm>>) target_semaphore(%dma_start3A_236 : memref<!tpu.dma_semaphore, #tpu.memory_space<semaphore_mem>>)
    %dma_start3A_241 = arith.constant 6 : i32
    %dma_start3A_242 = tpu.memref_slice %arg5[%dma_start3A_241] : memref<8x!tpu.dma_semaphore, #tpu.memory_space<semaphore_mem>> -> memref<1x!tpu.dma_semaphore, #tpu.memory_space<semaphore_mem>>
    %dma_start3A_243 = tpu.memref_squeeze %dma_start3A_242 : memref<1x!tpu.dma_semaphore, #tpu.memory_space<semaphore_mem>> -> memref<!tpu.dma_semaphore, #tpu.memory_space<semaphore_mem>>
    %dma_start3A_244 = arith.constant 138 : i32
    %dma_start3A_245 = arith.constant 0 : i32
    %dma_start3A_246 = arith.constant 0 : i32
    %dma_start3A_247 = tpu.memref_slice %arg3[%dma_start3A_244, %dma_start3A_245, %dma_start3A_246] : memref<201x1024x128xf32, #tpu.memory_space<hbm>> -> memref<3x1024x128xf32, #tpu.memory_space<hbm>>
    tpu.enqueue_dma source(%arg4 : memref<3x1024x128xf32, #tpu.memory_space<vmem>>) target(%dma_start3A_247 : memref<3x1024x128xf32, #tpu.memory_space<hbm>>) target_semaphore(%dma_start3A_243 : memref<!tpu.dma_semaphore, #tpu.memory_space<semaphore_mem>>)
    %dma_start3A_248 = arith.constant 7 : i32
    %dma_start3A_249 = tpu.memref_slice %arg5[%dma_start3A_248] : memref<8x!tpu.dma_semaphore, #tpu.memory_space<semaphore_mem>> -> memref<1x!tpu.dma_semaphore, #tpu.memory_space<semaphore_mem>>
    %dma_start3A_250 = tpu.memref_squeeze %dma_start3A_249 : memref<1x!tpu.dma_semaphore, #tpu.memory_space<semaphore_mem>> -> memref<!tpu.dma_semaphore, #tpu.memory_space<semaphore_mem>>
    %dma_start3A_251 = arith.constant 141 : i32
    %dma_start3A_252 = arith.constant 0 : i32
    %dma_start3A_253 = arith.constant 0 : i32
    %dma_start3A_254 = tpu.memref_slice %arg3[%dma_start3A_251, %dma_start3A_252, %dma_start3A_253] : memref<201x1024x128xf32, #tpu.memory_space<hbm>> -> memref<3x1024x128xf32, #tpu.memory_space<hbm>>
    tpu.enqueue_dma source(%arg4 : memref<3x1024x128xf32, #tpu.memory_space<vmem>>) target(%dma_start3A_254 : memref<3x1024x128xf32, #tpu.memory_space<hbm>>) target_semaphore(%dma_start3A_250 : memref<!tpu.dma_semaphore, #tpu.memory_space<semaphore_mem>>)
    %dma_start3A_255 = arith.constant 0 : i32
    %dma_start3A_256 = tpu.memref_slice %arg5[%dma_start3A_255] : memref<8x!tpu.dma_semaphore, #tpu.memory_space<semaphore_mem>> -> memref<1x!tpu.dma_semaphore, #tpu.memory_space<semaphore_mem>>
    %dma_start3A_257 = tpu.memref_squeeze %dma_start3A_256 : memref<1x!tpu.dma_semaphore, #tpu.memory_space<semaphore_mem>> -> memref<!tpu.dma_semaphore, #tpu.memory_space<semaphore_mem>>
    %dma_start3A_258 = arith.constant 144 : i32
    %dma_start3A_259 = arith.constant 0 : i32
    %dma_start3A_260 = arith.constant 0 : i32
    %dma_start3A_261 = tpu.memref_slice %arg3[%dma_start3A_258, %dma_start3A_259, %dma_start3A_260] : memref<201x1024x128xf32, #tpu.memory_space<hbm>> -> memref<3x1024x128xf32, #tpu.memory_space<hbm>>
    tpu.enqueue_dma source(%arg4 : memref<3x1024x128xf32, #tpu.memory_space<vmem>>) target(%dma_start3A_261 : memref<3x1024x128xf32, #tpu.memory_space<hbm>>) target_semaphore(%dma_start3A_257 : memref<!tpu.dma_semaphore, #tpu.memory_space<semaphore_mem>>)
    %dma_start3A_262 = arith.constant 1 : i32
    %dma_start3A_263 = tpu.memref_slice %arg5[%dma_start3A_262] : memref<8x!tpu.dma_semaphore, #tpu.memory_space<semaphore_mem>> -> memref<1x!tpu.dma_semaphore, #tpu.memory_space<semaphore_mem>>
    %dma_start3A_264 = tpu.memref_squeeze %dma_start3A_263 : memref<1x!tpu.dma_semaphore, #tpu.memory_space<semaphore_mem>> -> memref<!tpu.dma_semaphore, #tpu.memory_space<semaphore_mem>>
    %dma_start3A_265 = arith.constant 147 : i32
    %dma_start3A_266 = arith.constant 0 : i32
    %dma_start3A_267 = arith.constant 0 : i32
    %dma_start3A_268 = tpu.memref_slice %arg3[%dma_start3A_265, %dma_start3A_266, %dma_start3A_267] : memref<201x1024x128xf32, #tpu.memory_space<hbm>> -> memref<3x1024x128xf32, #tpu.memory_space<hbm>>
    tpu.enqueue_dma source(%arg4 : memref<3x1024x128xf32, #tpu.memory_space<vmem>>) target(%dma_start3A_268 : memref<3x1024x128xf32, #tpu.memory_space<hbm>>) target_semaphore(%dma_start3A_264 : memref<!tpu.dma_semaphore, #tpu.memory_space<semaphore_mem>>)
    %dma_start3A_269 = arith.constant 2 : i32
    %dma_start3A_270 = tpu.memref_slice %arg5[%dma_start3A_269] : memref<8x!tpu.dma_semaphore, #tpu.memory_space<semaphore_mem>> -> memref<1x!tpu.dma_semaphore, #tpu.memory_space<semaphore_mem>>
    %dma_start3A_271 = tpu.memref_squeeze %dma_start3A_270 : memref<1x!tpu.dma_semaphore, #tpu.memory_space<semaphore_mem>> -> memref<!tpu.dma_semaphore, #tpu.memory_space<semaphore_mem>>
    %dma_start3A_272 = arith.constant 150 : i32
    %dma_start3A_273 = arith.constant 0 : i32
    %dma_start3A_274 = arith.constant 0 : i32
    %dma_start3A_275 = tpu.memref_slice %arg3[%dma_start3A_272, %dma_start3A_273, %dma_start3A_274] : memref<201x1024x128xf32, #tpu.memory_space<hbm>> -> memref<3x1024x128xf32, #tpu.memory_space<hbm>>
    tpu.enqueue_dma source(%arg4 : memref<3x1024x128xf32, #tpu.memory_space<vmem>>) target(%dma_start3A_275 : memref<3x1024x128xf32, #tpu.memory_space<hbm>>) target_semaphore(%dma_start3A_271 : memref<!tpu.dma_semaphore, #tpu.memory_space<semaphore_mem>>)
    %dma_start3A_276 = arith.constant 3 : i32
    %dma_start3A_277 = tpu.memref_slice %arg5[%dma_start3A_276] : memref<8x!tpu.dma_semaphore, #tpu.memory_space<semaphore_mem>> -> memref<1x!tpu.dma_semaphore, #tpu.memory_space<semaphore_mem>>
    %dma_start3A_278 = tpu.memref_squeeze %dma_start3A_277 : memref<1x!tpu.dma_semaphore, #tpu.memory_space<semaphore_mem>> -> memref<!tpu.dma_semaphore, #tpu.memory_space<semaphore_mem>>
    %dma_start3A_279 = arith.constant 153 : i32
    %dma_start3A_280 = arith.constant 0 : i32
    %dma_start3A_281 = arith.constant 0 : i32
    %dma_start3A_282 = tpu.memref_slice %arg3[%dma_start3A_279, %dma_start3A_280, %dma_start3A_281] : memref<201x1024x128xf32, #tpu.memory_space<hbm>> -> memref<3x1024x128xf32, #tpu.memory_space<hbm>>
    tpu.enqueue_dma source(%arg4 : memref<3x1024x128xf32, #tpu.memory_space<vmem>>) target(%dma_start3A_282 : memref<3x1024x128xf32, #tpu.memory_space<hbm>>) target_semaphore(%dma_start3A_278 : memref<!tpu.dma_semaphore, #tpu.memory_space<semaphore_mem>>)
    %dma_start3A_283 = arith.constant 4 : i32
    %dma_start3A_284 = tpu.memref_slice %arg5[%dma_start3A_283] : memref<8x!tpu.dma_semaphore, #tpu.memory_space<semaphore_mem>> -> memref<1x!tpu.dma_semaphore, #tpu.memory_space<semaphore_mem>>
    %dma_start3A_285 = tpu.memref_squeeze %dma_start3A_284 : memref<1x!tpu.dma_semaphore, #tpu.memory_space<semaphore_mem>> -> memref<!tpu.dma_semaphore, #tpu.memory_space<semaphore_mem>>
    %dma_start3A_286 = arith.constant 156 : i32
    %dma_start3A_287 = arith.constant 0 : i32
    %dma_start3A_288 = arith.constant 0 : i32
    %dma_start3A_289 = tpu.memref_slice %arg3[%dma_start3A_286, %dma_start3A_287, %dma_start3A_288] : memref<201x1024x128xf32, #tpu.memory_space<hbm>> -> memref<3x1024x128xf32, #tpu.memory_space<hbm>>
    tpu.enqueue_dma source(%arg4 : memref<3x1024x128xf32, #tpu.memory_space<vmem>>) target(%dma_start3A_289 : memref<3x1024x128xf32, #tpu.memory_space<hbm>>) target_semaphore(%dma_start3A_285 : memref<!tpu.dma_semaphore, #tpu.memory_space<semaphore_mem>>)
    %dma_start3A_290 = arith.constant 5 : i32
    %dma_start3A_291 = tpu.memref_slice %arg5[%dma_start3A_290] : memref<8x!tpu.dma_semaphore, #tpu.memory_space<semaphore_mem>> -> memref<1x!tpu.dma_semaphore, #tpu.memory_space<semaphore_mem>>
    %dma_start3A_292 = tpu.memref_squeeze %dma_start3A_291 : memref<1x!tpu.dma_semaphore, #tpu.memory_space<semaphore_mem>> -> memref<!tpu.dma_semaphore, #tpu.memory_space<semaphore_mem>>
    %dma_start3A_293 = arith.constant 159 : i32
    %dma_start3A_294 = arith.constant 0 : i32
    %dma_start3A_295 = arith.constant 0 : i32
    %dma_start3A_296 = tpu.memref_slice %arg3[%dma_start3A_293, %dma_start3A_294, %dma_start3A_295] : memref<201x1024x128xf32, #tpu.memory_space<hbm>> -> memref<3x1024x128xf32, #tpu.memory_space<hbm>>
    tpu.enqueue_dma source(%arg4 : memref<3x1024x128xf32, #tpu.memory_space<vmem>>) target(%dma_start3A_296 : memref<3x1024x128xf32, #tpu.memory_space<hbm>>) target_semaphore(%dma_start3A_292 : memref<!tpu.dma_semaphore, #tpu.memory_space<semaphore_mem>>)
    %dma_start3A_297 = arith.constant 6 : i32
    %dma_start3A_298 = tpu.memref_slice %arg5[%dma_start3A_297] : memref<8x!tpu.dma_semaphore, #tpu.memory_space<semaphore_mem>> -> memref<1x!tpu.dma_semaphore, #tpu.memory_space<semaphore_mem>>
    %dma_start3A_299 = tpu.memref_squeeze %dma_start3A_298 : memref<1x!tpu.dma_semaphore, #tpu.memory_space<semaphore_mem>> -> memref<!tpu.dma_semaphore, #tpu.memory_space<semaphore_mem>>
    %dma_start3A_300 = arith.constant 162 : i32
    %dma_start3A_301 = arith.constant 0 : i32
    %dma_start3A_302 = arith.constant 0 : i32
    %dma_start3A_303 = tpu.memref_slice %arg3[%dma_start3A_300, %dma_start3A_301, %dma_start3A_302] : memref<201x1024x128xf32, #tpu.memory_space<hbm>> -> memref<3x1024x128xf32, #tpu.memory_space<hbm>>
    tpu.enqueue_dma source(%arg4 : memref<3x1024x128xf32, #tpu.memory_space<vmem>>) target(%dma_start3A_303 : memref<3x1024x128xf32, #tpu.memory_space<hbm>>) target_semaphore(%dma_start3A_299 : memref<!tpu.dma_semaphore, #tpu.memory_space<semaphore_mem>>)
    %dma_start3A_304 = arith.constant 7 : i32
    %dma_start3A_305 = tpu.memref_slice %arg5[%dma_start3A_304] : memref<8x!tpu.dma_semaphore, #tpu.memory_space<semaphore_mem>> -> memref<1x!tpu.dma_semaphore, #tpu.memory_space<semaphore_mem>>
    %dma_start3A_306 = tpu.memref_squeeze %dma_start3A_305 : memref<1x!tpu.dma_semaphore, #tpu.memory_space<semaphore_mem>> -> memref<!tpu.dma_semaphore, #tpu.memory_space<semaphore_mem>>
    %dma_start3A_307 = arith.constant 165 : i32
    %dma_start3A_308 = arith.constant 0 : i32
    %dma_start3A_309 = arith.constant 0 : i32
    %dma_start3A_310 = tpu.memref_slice %arg3[%dma_start3A_307, %dma_start3A_308, %dma_start3A_309] : memref<201x1024x128xf32, #tpu.memory_space<hbm>> -> memref<3x1024x128xf32, #tpu.memory_space<hbm>>
    tpu.enqueue_dma source(%arg4 : memref<3x1024x128xf32, #tpu.memory_space<vmem>>) target(%dma_start3A_310 : memref<3x1024x128xf32, #tpu.memory_space<hbm>>) target_semaphore(%dma_start3A_306 : memref<!tpu.dma_semaphore, #tpu.memory_space<semaphore_mem>>)
    %dma_start3A_311 = arith.constant 0 : i32
    %dma_start3A_312 = tpu.memref_slice %arg5[%dma_start3A_311] : memref<8x!tpu.dma_semaphore, #tpu.memory_space<semaphore_mem>> -> memref<1x!tpu.dma_semaphore, #tpu.memory_space<semaphore_mem>>
    %dma_start3A_313 = tpu.memref_squeeze %dma_start3A_312 : memref<1x!tpu.dma_semaphore, #tpu.memory_space<semaphore_mem>> -> memref<!tpu.dma_semaphore, #tpu.memory_space<semaphore_mem>>
    %dma_start3A_314 = arith.constant 168 : i32
    %dma_start3A_315 = arith.constant 0 : i32
    %dma_start3A_316 = arith.constant 0 : i32
    %dma_start3A_317 = tpu.memref_slice %arg3[%dma_start3A_314, %dma_start3A_315, %dma_start3A_316] : memref<201x1024x128xf32, #tpu.memory_space<hbm>> -> memref<3x1024x128xf32, #tpu.memory_space<hbm>>
    tpu.enqueue_dma source(%arg4 : memref<3x1024x128xf32, #tpu.memory_space<vmem>>) target(%dma_start3A_317 : memref<3x1024x128xf32, #tpu.memory_space<hbm>>) target_semaphore(%dma_start3A_313 : memref<!tpu.dma_semaphore, #tpu.memory_space<semaphore_mem>>)
    %dma_start3A_318 = arith.constant 1 : i32
    %dma_start3A_319 = tpu.memref_slice %arg5[%dma_start3A_318] : memref<8x!tpu.dma_semaphore, #tpu.memory_space<semaphore_mem>> -> memref<1x!tpu.dma_semaphore, #tpu.memory_space<semaphore_mem>>
    %dma_start3A_320 = tpu.memref_squeeze %dma_start3A_319 : memref<1x!tpu.dma_semaphore, #tpu.memory_space<semaphore_mem>> -> memref<!tpu.dma_semaphore, #tpu.memory_space<semaphore_mem>>
    %dma_start3A_321 = arith.constant 171 : i32
    %dma_start3A_322 = arith.constant 0 : i32
    %dma_start3A_323 = arith.constant 0 : i32
    %dma_start3A_324 = tpu.memref_slice %arg3[%dma_start3A_321, %dma_start3A_322, %dma_start3A_323] : memref<201x1024x128xf32, #tpu.memory_space<hbm>> -> memref<3x1024x128xf32, #tpu.memory_space<hbm>>
    tpu.enqueue_dma source(%arg4 : memref<3x1024x128xf32, #tpu.memory_space<vmem>>) target(%dma_start3A_324 : memref<3x1024x128xf32, #tpu.memory_space<hbm>>) target_semaphore(%dma_start3A_320 : memref<!tpu.dma_semaphore, #tpu.memory_space<semaphore_mem>>)
    %dma_start3A_325 = arith.constant 2 : i32
    %dma_start3A_326 = tpu.memref_slice %arg5[%dma_start3A_325] : memref<8x!tpu.dma_semaphore, #tpu.memory_space<semaphore_mem>> -> memref<1x!tpu.dma_semaphore, #tpu.memory_space<semaphore_mem>>
    %dma_start3A_327 = tpu.memref_squeeze %dma_start3A_326 : memref<1x!tpu.dma_semaphore, #tpu.memory_space<semaphore_mem>> -> memref<!tpu.dma_semaphore, #tpu.memory_space<semaphore_mem>>
    %dma_start3A_328 = arith.constant 174 : i32
    %dma_start3A_329 = arith.constant 0 : i32
    %dma_start3A_330 = arith.constant 0 : i32
    %dma_start3A_331 = tpu.memref_slice %arg3[%dma_start3A_328, %dma_start3A_329, %dma_start3A_330] : memref<201x1024x128xf32, #tpu.memory_space<hbm>> -> memref<3x1024x128xf32, #tpu.memory_space<hbm>>
    tpu.enqueue_dma source(%arg4 : memref<3x1024x128xf32, #tpu.memory_space<vmem>>) target(%dma_start3A_331 : memref<3x1024x128xf32, #tpu.memory_space<hbm>>) target_semaphore(%dma_start3A_327 : memref<!tpu.dma_semaphore, #tpu.memory_space<semaphore_mem>>)
    %dma_start3A_332 = arith.constant 3 : i32
    %dma_start3A_333 = tpu.memref_slice %arg5[%dma_start3A_332] : memref<8x!tpu.dma_semaphore, #tpu.memory_space<semaphore_mem>> -> memref<1x!tpu.dma_semaphore, #tpu.memory_space<semaphore_mem>>
    %dma_start3A_334 = tpu.memref_squeeze %dma_start3A_333 : memref<1x!tpu.dma_semaphore, #tpu.memory_space<semaphore_mem>> -> memref<!tpu.dma_semaphore, #tpu.memory_space<semaphore_mem>>
    %dma_start3A_335 = arith.constant 177 : i32
    %dma_start3A_336 = arith.constant 0 : i32
    %dma_start3A_337 = arith.constant 0 : i32
    %dma_start3A_338 = tpu.memref_slice %arg3[%dma_start3A_335, %dma_start3A_336, %dma_start3A_337] : memref<201x1024x128xf32, #tpu.memory_space<hbm>> -> memref<3x1024x128xf32, #tpu.memory_space<hbm>>
    tpu.enqueue_dma source(%arg4 : memref<3x1024x128xf32, #tpu.memory_space<vmem>>) target(%dma_start3A_338 : memref<3x1024x128xf32, #tpu.memory_space<hbm>>) target_semaphore(%dma_start3A_334 : memref<!tpu.dma_semaphore, #tpu.memory_space<semaphore_mem>>)
    %dma_start3A_339 = arith.constant 4 : i32
    %dma_start3A_340 = tpu.memref_slice %arg5[%dma_start3A_339] : memref<8x!tpu.dma_semaphore, #tpu.memory_space<semaphore_mem>> -> memref<1x!tpu.dma_semaphore, #tpu.memory_space<semaphore_mem>>
    %dma_start3A_341 = tpu.memref_squeeze %dma_start3A_340 : memref<1x!tpu.dma_semaphore, #tpu.memory_space<semaphore_mem>> -> memref<!tpu.dma_semaphore, #tpu.memory_space<semaphore_mem>>
    %dma_start3A_342 = arith.constant 180 : i32
    %dma_start3A_343 = arith.constant 0 : i32
    %dma_start3A_344 = arith.constant 0 : i32
    %dma_start3A_345 = tpu.memref_slice %arg3[%dma_start3A_342, %dma_start3A_343, %dma_start3A_344] : memref<201x1024x128xf32, #tpu.memory_space<hbm>> -> memref<3x1024x128xf32, #tpu.memory_space<hbm>>
    tpu.enqueue_dma source(%arg4 : memref<3x1024x128xf32, #tpu.memory_space<vmem>>) target(%dma_start3A_345 : memref<3x1024x128xf32, #tpu.memory_space<hbm>>) target_semaphore(%dma_start3A_341 : memref<!tpu.dma_semaphore, #tpu.memory_space<semaphore_mem>>)
    %dma_start3A_346 = arith.constant 5 : i32
    %dma_start3A_347 = tpu.memref_slice %arg5[%dma_start3A_346] : memref<8x!tpu.dma_semaphore, #tpu.memory_space<semaphore_mem>> -> memref<1x!tpu.dma_semaphore, #tpu.memory_space<semaphore_mem>>
    %dma_start3A_348 = tpu.memref_squeeze %dma_start3A_347 : memref<1x!tpu.dma_semaphore, #tpu.memory_space<semaphore_mem>> -> memref<!tpu.dma_semaphore, #tpu.memory_space<semaphore_mem>>
    %dma_start3A_349 = arith.constant 183 : i32
    %dma_start3A_350 = arith.constant 0 : i32
    %dma_start3A_351 = arith.constant 0 : i32
    %dma_start3A_352 = tpu.memref_slice %arg3[%dma_start3A_349, %dma_start3A_350, %dma_start3A_351] : memref<201x1024x128xf32, #tpu.memory_space<hbm>> -> memref<3x1024x128xf32, #tpu.memory_space<hbm>>
    tpu.enqueue_dma source(%arg4 : memref<3x1024x128xf32, #tpu.memory_space<vmem>>) target(%dma_start3A_352 : memref<3x1024x128xf32, #tpu.memory_space<hbm>>) target_semaphore(%dma_start3A_348 : memref<!tpu.dma_semaphore, #tpu.memory_space<semaphore_mem>>)
    %dma_start3A_353 = arith.constant 6 : i32
    %dma_start3A_354 = tpu.memref_slice %arg5[%dma_start3A_353] : memref<8x!tpu.dma_semaphore, #tpu.memory_space<semaphore_mem>> -> memref<1x!tpu.dma_semaphore, #tpu.memory_space<semaphore_mem>>
    %dma_start3A_355 = tpu.memref_squeeze %dma_start3A_354 : memref<1x!tpu.dma_semaphore, #tpu.memory_space<semaphore_mem>> -> memref<!tpu.dma_semaphore, #tpu.memory_space<semaphore_mem>>
    %dma_start3A_356 = arith.constant 186 : i32
    %dma_start3A_357 = arith.constant 0 : i32
    %dma_start3A_358 = arith.constant 0 : i32
    %dma_start3A_359 = tpu.memref_slice %arg3[%dma_start3A_356, %dma_start3A_357, %dma_start3A_358] : memref<201x1024x128xf32, #tpu.memory_space<hbm>> -> memref<3x1024x128xf32, #tpu.memory_space<hbm>>
    tpu.enqueue_dma source(%arg4 : memref<3x1024x128xf32, #tpu.memory_space<vmem>>) target(%dma_start3A_359 : memref<3x1024x128xf32, #tpu.memory_space<hbm>>) target_semaphore(%dma_start3A_355 : memref<!tpu.dma_semaphore, #tpu.memory_space<semaphore_mem>>)
    %dma_start3A_360 = arith.constant 7 : i32
    %dma_start3A_361 = tpu.memref_slice %arg5[%dma_start3A_360] : memref<8x!tpu.dma_semaphore, #tpu.memory_space<semaphore_mem>> -> memref<1x!tpu.dma_semaphore, #tpu.memory_space<semaphore_mem>>
    %dma_start3A_362 = tpu.memref_squeeze %dma_start3A_361 : memref<1x!tpu.dma_semaphore, #tpu.memory_space<semaphore_mem>> -> memref<!tpu.dma_semaphore, #tpu.memory_space<semaphore_mem>>
    %dma_start3A_363 = arith.constant 189 : i32
    %dma_start3A_364 = arith.constant 0 : i32
    %dma_start3A_365 = arith.constant 0 : i32
    %dma_start3A_366 = tpu.memref_slice %arg3[%dma_start3A_363, %dma_start3A_364, %dma_start3A_365] : memref<201x1024x128xf32, #tpu.memory_space<hbm>> -> memref<3x1024x128xf32, #tpu.memory_space<hbm>>
    tpu.enqueue_dma source(%arg4 : memref<3x1024x128xf32, #tpu.memory_space<vmem>>) target(%dma_start3A_366 : memref<3x1024x128xf32, #tpu.memory_space<hbm>>) target_semaphore(%dma_start3A_362 : memref<!tpu.dma_semaphore, #tpu.memory_space<semaphore_mem>>)
    %dma_start3A_367 = arith.constant 0 : i32
    %dma_start3A_368 = tpu.memref_slice %arg5[%dma_start3A_367] : memref<8x!tpu.dma_semaphore, #tpu.memory_space<semaphore_mem>> -> memref<1x!tpu.dma_semaphore, #tpu.memory_space<semaphore_mem>>
    %dma_start3A_369 = tpu.memref_squeeze %dma_start3A_368 : memref<1x!tpu.dma_semaphore, #tpu.memory_space<semaphore_mem>> -> memref<!tpu.dma_semaphore, #tpu.memory_space<semaphore_mem>>
    %dma_start3A_370 = arith.constant 192 : i32
    %dma_start3A_371 = arith.constant 0 : i32
    %dma_start3A_372 = arith.constant 0 : i32
    %dma_start3A_373 = tpu.memref_slice %arg3[%dma_start3A_370, %dma_start3A_371, %dma_start3A_372] : memref<201x1024x128xf32, #tpu.memory_space<hbm>> -> memref<3x1024x128xf32, #tpu.memory_space<hbm>>
    tpu.enqueue_dma source(%arg4 : memref<3x1024x128xf32, #tpu.memory_space<vmem>>) target(%dma_start3A_373 : memref<3x1024x128xf32, #tpu.memory_space<hbm>>) target_semaphore(%dma_start3A_369 : memref<!tpu.dma_semaphore, #tpu.memory_space<semaphore_mem>>)
    %dma_start3A_374 = arith.constant 1 : i32
    %dma_start3A_375 = tpu.memref_slice %arg5[%dma_start3A_374] : memref<8x!tpu.dma_semaphore, #tpu.memory_space<semaphore_mem>> -> memref<1x!tpu.dma_semaphore, #tpu.memory_space<semaphore_mem>>
    %dma_start3A_376 = tpu.memref_squeeze %dma_start3A_375 : memref<1x!tpu.dma_semaphore, #tpu.memory_space<semaphore_mem>> -> memref<!tpu.dma_semaphore, #tpu.memory_space<semaphore_mem>>
    %dma_start3A_377 = arith.constant 195 : i32
    %dma_start3A_378 = arith.constant 0 : i32
    %dma_start3A_379 = arith.constant 0 : i32
    %dma_start3A_380 = tpu.memref_slice %arg3[%dma_start3A_377, %dma_start3A_378, %dma_start3A_379] : memref<201x1024x128xf32, #tpu.memory_space<hbm>> -> memref<3x1024x128xf32, #tpu.memory_space<hbm>>
    tpu.enqueue_dma source(%arg4 : memref<3x1024x128xf32, #tpu.memory_space<vmem>>) target(%dma_start3A_380 : memref<3x1024x128xf32, #tpu.memory_space<hbm>>) target_semaphore(%dma_start3A_376 : memref<!tpu.dma_semaphore, #tpu.memory_space<semaphore_mem>>)
    %dma_start3A_381 = arith.constant 2 : i32
    %dma_start3A_382 = tpu.memref_slice %arg5[%dma_start3A_381] : memref<8x!tpu.dma_semaphore, #tpu.memory_space<semaphore_mem>> -> memref<1x!tpu.dma_semaphore, #tpu.memory_space<semaphore_mem>>
    %dma_start3A_383 = tpu.memref_squeeze %dma_start3A_382 : memref<1x!tpu.dma_semaphore, #tpu.memory_space<semaphore_mem>> -> memref<!tpu.dma_semaphore, #tpu.memory_space<semaphore_mem>>
    %dma_start3A_384 = arith.constant 198 : i32
    %dma_start3A_385 = arith.constant 0 : i32
    %dma_start3A_386 = arith.constant 0 : i32
    %dma_start3A_387 = tpu.memref_slice %arg3[%dma_start3A_384, %dma_start3A_385, %dma_start3A_386] : memref<201x1024x128xf32, #tpu.memory_space<hbm>> -> memref<3x1024x128xf32, #tpu.memory_space<hbm>>
    tpu.enqueue_dma source(%arg4 : memref<3x1024x128xf32, #tpu.memory_space<vmem>>) target(%dma_start3A_387 : memref<3x1024x128xf32, #tpu.memory_space<hbm>>) target_semaphore(%dma_start3A_383 : memref<!tpu.dma_semaphore, #tpu.memory_space<semaphore_mem>>)
    %dma_wait3A = arith.constant 4 : i32
    %dma_wait3A_388 = tpu.memref_slice %arg5[%dma_wait3A] : memref<8x!tpu.dma_semaphore, #tpu.memory_space<semaphore_mem>> -> memref<1x!tpu.dma_semaphore, #tpu.memory_space<semaphore_mem>>
    %dma_wait3A_389 = tpu.memref_squeeze %dma_wait3A_388 : memref<1x!tpu.dma_semaphore, #tpu.memory_space<semaphore_mem>> -> memref<!tpu.dma_semaphore, #tpu.memory_space<semaphore_mem>>
    %dma_wait3A_390 = arith.constant 36 : i32
    %dma_wait3A_391 = arith.constant 0 : i32
    %dma_wait3A_392 = arith.constant 0 : i32
    %dma_wait3A_393 = tpu.memref_slice %arg3[%dma_wait3A_390, %dma_wait3A_391, %dma_wait3A_392] : memref<201x1024x128xf32, #tpu.memory_space<hbm>> -> memref<3x1024x128xf32, #tpu.memory_space<hbm>>
    tpu.wait_dma2 semaphore(%dma_wait3A_389 : memref<!tpu.dma_semaphore, #tpu.memory_space<semaphore_mem>>) src(%arg4 : memref<3x1024x128xf32, #tpu.memory_space<vmem>>) dst(%dma_wait3A_393 : memref<3x1024x128xf32, #tpu.memory_space<hbm>>)
    %dma_wait3A_394 = arith.constant 5 : i32
    %dma_wait3A_395 = tpu.memref_slice %arg5[%dma_wait3A_394] : memref<8x!tpu.dma_semaphore, #tpu.memory_space<semaphore_mem>> -> memref<1x!tpu.dma_semaphore, #tpu.memory_space<semaphore_mem>>
    %dma_wait3A_396 = tpu.memref_squeeze %dma_wait3A_395 : memref<1x!tpu.dma_semaphore, #tpu.memory_space<semaphore_mem>> -> memref<!tpu.dma_semaphore, #tpu.memory_space<semaphore_mem>>
    %dma_wait3A_397 = arith.constant 39 : i32
    %dma_wait3A_398 = arith.constant 0 : i32
    %dma_wait3A_399 = arith.constant 0 : i32
    %dma_wait3A_400 = tpu.memref_slice %arg3[%dma_wait3A_397, %dma_wait3A_398, %dma_wait3A_399] : memref<201x1024x128xf32, #tpu.memory_space<hbm>> -> memref<3x1024x128xf32, #tpu.memory_space<hbm>>
    tpu.wait_dma2 semaphore(%dma_wait3A_396 : memref<!tpu.dma_semaphore, #tpu.memory_space<semaphore_mem>>) src(%arg4 : memref<3x1024x128xf32, #tpu.memory_space<vmem>>) dst(%dma_wait3A_400 : memref<3x1024x128xf32, #tpu.memory_space<hbm>>)
    %dma_wait3A_401 = arith.constant 6 : i32
    %dma_wait3A_402 = tpu.memref_slice %arg5[%dma_wait3A_401] : memref<8x!tpu.dma_semaphore, #tpu.memory_space<semaphore_mem>> -> memref<1x!tpu.dma_semaphore, #tpu.memory_space<semaphore_mem>>
    %dma_wait3A_403 = tpu.memref_squeeze %dma_wait3A_402 : memref<1x!tpu.dma_semaphore, #tpu.memory_space<semaphore_mem>> -> memref<!tpu.dma_semaphore, #tpu.memory_space<semaphore_mem>>
    %dma_wait3A_404 = arith.constant 42 : i32
    %dma_wait3A_405 = arith.constant 0 : i32
    %dma_wait3A_406 = arith.constant 0 : i32
    %dma_wait3A_407 = tpu.memref_slice %arg3[%dma_wait3A_404, %dma_wait3A_405, %dma_wait3A_406] : memref<201x1024x128xf32, #tpu.memory_space<hbm>> -> memref<3x1024x128xf32, #tpu.memory_space<hbm>>
    tpu.wait_dma2 semaphore(%dma_wait3A_403 : memref<!tpu.dma_semaphore, #tpu.memory_space<semaphore_mem>>) src(%arg4 : memref<3x1024x128xf32, #tpu.memory_space<vmem>>) dst(%dma_wait3A_407 : memref<3x1024x128xf32, #tpu.memory_space<hbm>>)
    %dma_wait3A_408 = arith.constant 7 : i32
    %dma_wait3A_409 = tpu.memref_slice %arg5[%dma_wait3A_408] : memref<8x!tpu.dma_semaphore, #tpu.memory_space<semaphore_mem>> -> memref<1x!tpu.dma_semaphore, #tpu.memory_space<semaphore_mem>>
    %dma_wait3A_410 = tpu.memref_squeeze %dma_wait3A_409 : memref<1x!tpu.dma_semaphore, #tpu.memory_space<semaphore_mem>> -> memref<!tpu.dma_semaphore, #tpu.memory_space<semaphore_mem>>
    %dma_wait3A_411 = arith.constant 45 : i32
    %dma_wait3A_412 = arith.constant 0 : i32
    %dma_wait3A_413 = arith.constant 0 : i32
    %dma_wait3A_414 = tpu.memref_slice %arg3[%dma_wait3A_411, %dma_wait3A_412, %dma_wait3A_413] : memref<201x1024x128xf32, #tpu.memory_space<hbm>> -> memref<3x1024x128xf32, #tpu.memory_space<hbm>>
    tpu.wait_dma2 semaphore(%dma_wait3A_410 : memref<!tpu.dma_semaphore, #tpu.memory_space<semaphore_mem>>) src(%arg4 : memref<3x1024x128xf32, #tpu.memory_space<vmem>>) dst(%dma_wait3A_414 : memref<3x1024x128xf32, #tpu.memory_space<hbm>>)
    %dma_wait3A_415 = arith.constant 0 : i32
    %dma_wait3A_416 = tpu.memref_slice %arg5[%dma_wait3A_415] : memref<8x!tpu.dma_semaphore, #tpu.memory_space<semaphore_mem>> -> memref<1x!tpu.dma_semaphore, #tpu.memory_space<semaphore_mem>>
    %dma_wait3A_417 = tpu.memref_squeeze %dma_wait3A_416 : memref<1x!tpu.dma_semaphore, #tpu.memory_space<semaphore_mem>> -> memref<!tpu.dma_semaphore, #tpu.memory_space<semaphore_mem>>
    %dma_wait3A_418 = arith.constant 48 : i32
    %dma_wait3A_419 = arith.constant 0 : i32
    %dma_wait3A_420 = arith.constant 0 : i32
    %dma_wait3A_421 = tpu.memref_slice %arg3[%dma_wait3A_418, %dma_wait3A_419, %dma_wait3A_420] : memref<201x1024x128xf32, #tpu.memory_space<hbm>> -> memref<3x1024x128xf32, #tpu.memory_space<hbm>>
    tpu.wait_dma2 semaphore(%dma_wait3A_417 : memref<!tpu.dma_semaphore, #tpu.memory_space<semaphore_mem>>) src(%arg4 : memref<3x1024x128xf32, #tpu.memory_space<vmem>>) dst(%dma_wait3A_421 : memref<3x1024x128xf32, #tpu.memory_space<hbm>>)
    %dma_wait3A_422 = arith.constant 1 : i32
    %dma_wait3A_423 = tpu.memref_slice %arg5[%dma_wait3A_422] : memref<8x!tpu.dma_semaphore, #tpu.memory_space<semaphore_mem>> -> memref<1x!tpu.dma_semaphore, #tpu.memory_space<semaphore_mem>>
    %dma_wait3A_424 = tpu.memref_squeeze %dma_wait3A_423 : memref<1x!tpu.dma_semaphore, #tpu.memory_space<semaphore_mem>> -> memref<!tpu.dma_semaphore, #tpu.memory_space<semaphore_mem>>
    %dma_wait3A_425 = arith.constant 51 : i32
    %dma_wait3A_426 = arith.constant 0 : i32
    %dma_wait3A_427 = arith.constant 0 : i32
    %dma_wait3A_428 = tpu.memref_slice %arg3[%dma_wait3A_425, %dma_wait3A_426, %dma_wait3A_427] : memref<201x1024x128xf32, #tpu.memory_space<hbm>> -> memref<3x1024x128xf32, #tpu.memory_space<hbm>>
    tpu.wait_dma2 semaphore(%dma_wait3A_424 : memref<!tpu.dma_semaphore, #tpu.memory_space<semaphore_mem>>) src(%arg4 : memref<3x1024x128xf32, #tpu.memory_space<vmem>>) dst(%dma_wait3A_428 : memref<3x1024x128xf32, #tpu.memory_space<hbm>>)
    %dma_wait3A_429 = arith.constant 2 : i32
    %dma_wait3A_430 = tpu.memref_slice %arg5[%dma_wait3A_429] : memref<8x!tpu.dma_semaphore, #tpu.memory_space<semaphore_mem>> -> memref<1x!tpu.dma_semaphore, #tpu.memory_space<semaphore_mem>>
    %dma_wait3A_431 = tpu.memref_squeeze %dma_wait3A_430 : memref<1x!tpu.dma_semaphore, #tpu.memory_space<semaphore_mem>> -> memref<!tpu.dma_semaphore, #tpu.memory_space<semaphore_mem>>
    %dma_wait3A_432 = arith.constant 54 : i32
    %dma_wait3A_433 = arith.constant 0 : i32
    %dma_wait3A_434 = arith.constant 0 : i32
    %dma_wait3A_435 = tpu.memref_slice %arg3[%dma_wait3A_432, %dma_wait3A_433, %dma_wait3A_434] : memref<201x1024x128xf32, #tpu.memory_space<hbm>> -> memref<3x1024x128xf32, #tpu.memory_space<hbm>>
    tpu.wait_dma2 semaphore(%dma_wait3A_431 : memref<!tpu.dma_semaphore, #tpu.memory_space<semaphore_mem>>) src(%arg4 : memref<3x1024x128xf32, #tpu.memory_space<vmem>>) dst(%dma_wait3A_435 : memref<3x1024x128xf32, #tpu.memory_space<hbm>>)
    %dma_wait3A_436 = arith.constant 3 : i32
    %dma_wait3A_437 = tpu.memref_slice %arg5[%dma_wait3A_436] : memref<8x!tpu.dma_semaphore, #tpu.memory_space<semaphore_mem>> -> memref<1x!tpu.dma_semaphore, #tpu.memory_space<semaphore_mem>>
    %dma_wait3A_438 = tpu.memref_squeeze %dma_wait3A_437 : memref<1x!tpu.dma_semaphore, #tpu.memory_space<semaphore_mem>> -> memref<!tpu.dma_semaphore, #tpu.memory_space<semaphore_mem>>
    %dma_wait3A_439 = arith.constant 57 : i32
    %dma_wait3A_440 = arith.constant 0 : i32
    %dma_wait3A_441 = arith.constant 0 : i32
    %dma_wait3A_442 = tpu.memref_slice %arg3[%dma_wait3A_439, %dma_wait3A_440, %dma_wait3A_441] : memref<201x1024x128xf32, #tpu.memory_space<hbm>> -> memref<3x1024x128xf32, #tpu.memory_space<hbm>>
    tpu.wait_dma2 semaphore(%dma_wait3A_438 : memref<!tpu.dma_semaphore, #tpu.memory_space<semaphore_mem>>) src(%arg4 : memref<3x1024x128xf32, #tpu.memory_space<vmem>>) dst(%dma_wait3A_442 : memref<3x1024x128xf32, #tpu.memory_space<hbm>>)
    %dma_wait3A_443 = arith.constant 4 : i32
    %dma_wait3A_444 = tpu.memref_slice %arg5[%dma_wait3A_443] : memref<8x!tpu.dma_semaphore, #tpu.memory_space<semaphore_mem>> -> memref<1x!tpu.dma_semaphore, #tpu.memory_space<semaphore_mem>>
    %dma_wait3A_445 = tpu.memref_squeeze %dma_wait3A_444 : memref<1x!tpu.dma_semaphore, #tpu.memory_space<semaphore_mem>> -> memref<!tpu.dma_semaphore, #tpu.memory_space<semaphore_mem>>
    %dma_wait3A_446 = arith.constant 60 : i32
    %dma_wait3A_447 = arith.constant 0 : i32
    %dma_wait3A_448 = arith.constant 0 : i32
    %dma_wait3A_449 = tpu.memref_slice %arg3[%dma_wait3A_446, %dma_wait3A_447, %dma_wait3A_448] : memref<201x1024x128xf32, #tpu.memory_space<hbm>> -> memref<3x1024x128xf32, #tpu.memory_space<hbm>>
    tpu.wait_dma2 semaphore(%dma_wait3A_445 : memref<!tpu.dma_semaphore, #tpu.memory_space<semaphore_mem>>) src(%arg4 : memref<3x1024x128xf32, #tpu.memory_space<vmem>>) dst(%dma_wait3A_449 : memref<3x1024x128xf32, #tpu.memory_space<hbm>>)
    %dma_wait3A_450 = arith.constant 5 : i32
    %dma_wait3A_451 = tpu.memref_slice %arg5[%dma_wait3A_450] : memref<8x!tpu.dma_semaphore, #tpu.memory_space<semaphore_mem>> -> memref<1x!tpu.dma_semaphore, #tpu.memory_space<semaphore_mem>>
    %dma_wait3A_452 = tpu.memref_squeeze %dma_wait3A_451 : memref<1x!tpu.dma_semaphore, #tpu.memory_space<semaphore_mem>> -> memref<!tpu.dma_semaphore, #tpu.memory_space<semaphore_mem>>
    %dma_wait3A_453 = arith.constant 63 : i32
    %dma_wait3A_454 = arith.constant 0 : i32
    %dma_wait3A_455 = arith.constant 0 : i32
    %dma_wait3A_456 = tpu.memref_slice %arg3[%dma_wait3A_453, %dma_wait3A_454, %dma_wait3A_455] : memref<201x1024x128xf32, #tpu.memory_space<hbm>> -> memref<3x1024x128xf32, #tpu.memory_space<hbm>>
    tpu.wait_dma2 semaphore(%dma_wait3A_452 : memref<!tpu.dma_semaphore, #tpu.memory_space<semaphore_mem>>) src(%arg4 : memref<3x1024x128xf32, #tpu.memory_space<vmem>>) dst(%dma_wait3A_456 : memref<3x1024x128xf32, #tpu.memory_space<hbm>>)
    %dma_wait3A_457 = arith.constant 6 : i32
    %dma_wait3A_458 = tpu.memref_slice %arg5[%dma_wait3A_457] : memref<8x!tpu.dma_semaphore, #tpu.memory_space<semaphore_mem>> -> memref<1x!tpu.dma_semaphore, #tpu.memory_space<semaphore_mem>>
    %dma_wait3A_459 = tpu.memref_squeeze %dma_wait3A_458 : memref<1x!tpu.dma_semaphore, #tpu.memory_space<semaphore_mem>> -> memref<!tpu.dma_semaphore, #tpu.memory_space<semaphore_mem>>
    %dma_wait3A_460 = arith.constant 66 : i32
    %dma_wait3A_461 = arith.constant 0 : i32
    %dma_wait3A_462 = arith.constant 0 : i32
    %dma_wait3A_463 = tpu.memref_slice %arg3[%dma_wait3A_460, %dma_wait3A_461, %dma_wait3A_462] : memref<201x1024x128xf32, #tpu.memory_space<hbm>> -> memref<3x1024x128xf32, #tpu.memory_space<hbm>>
    tpu.wait_dma2 semaphore(%dma_wait3A_459 : memref<!tpu.dma_semaphore, #tpu.memory_space<semaphore_mem>>) src(%arg4 : memref<3x1024x128xf32, #tpu.memory_space<vmem>>) dst(%dma_wait3A_463 : memref<3x1024x128xf32, #tpu.memory_space<hbm>>)
    %dma_wait3A_464 = arith.constant 7 : i32
    %dma_wait3A_465 = tpu.memref_slice %arg5[%dma_wait3A_464] : memref<8x!tpu.dma_semaphore, #tpu.memory_space<semaphore_mem>> -> memref<1x!tpu.dma_semaphore, #tpu.memory_space<semaphore_mem>>
    %dma_wait3A_466 = tpu.memref_squeeze %dma_wait3A_465 : memref<1x!tpu.dma_semaphore, #tpu.memory_space<semaphore_mem>> -> memref<!tpu.dma_semaphore, #tpu.memory_space<semaphore_mem>>
    %dma_wait3A_467 = arith.constant 69 : i32
    %dma_wait3A_468 = arith.constant 0 : i32
    %dma_wait3A_469 = arith.constant 0 : i32
    %dma_wait3A_470 = tpu.memref_slice %arg3[%dma_wait3A_467, %dma_wait3A_468, %dma_wait3A_469] : memref<201x1024x128xf32, #tpu.memory_space<hbm>> -> memref<3x1024x128xf32, #tpu.memory_space<hbm>>
    tpu.wait_dma2 semaphore(%dma_wait3A_466 : memref<!tpu.dma_semaphore, #tpu.memory_space<semaphore_mem>>) src(%arg4 : memref<3x1024x128xf32, #tpu.memory_space<vmem>>) dst(%dma_wait3A_470 : memref<3x1024x128xf32, #tpu.memory_space<hbm>>)
    %dma_wait3A_471 = arith.constant 0 : i32
    %dma_wait3A_472 = tpu.memref_slice %arg5[%dma_wait3A_471] : memref<8x!tpu.dma_semaphore, #tpu.memory_space<semaphore_mem>> -> memref<1x!tpu.dma_semaphore, #tpu.memory_space<semaphore_mem>>
    %dma_wait3A_473 = tpu.memref_squeeze %dma_wait3A_472 : memref<1x!tpu.dma_semaphore, #tpu.memory_space<semaphore_mem>> -> memref<!tpu.dma_semaphore, #tpu.memory_space<semaphore_mem>>
    %dma_wait3A_474 = arith.constant 72 : i32
    %dma_wait3A_475 = arith.constant 0 : i32
    %dma_wait3A_476 = arith.constant 0 : i32
    %dma_wait3A_477 = tpu.memref_slice %arg3[%dma_wait3A_474, %dma_wait3A_475, %dma_wait3A_476] : memref<201x1024x128xf32, #tpu.memory_space<hbm>> -> memref<3x1024x128xf32, #tpu.memory_space<hbm>>
    tpu.wait_dma2 semaphore(%dma_wait3A_473 : memref<!tpu.dma_semaphore, #tpu.memory_space<semaphore_mem>>) src(%arg4 : memref<3x1024x128xf32, #tpu.memory_space<vmem>>) dst(%dma_wait3A_477 : memref<3x1024x128xf32, #tpu.memory_space<hbm>>)
    %dma_wait3A_478 = arith.constant 1 : i32
    %dma_wait3A_479 = tpu.memref_slice %arg5[%dma_wait3A_478] : memref<8x!tpu.dma_semaphore, #tpu.memory_space<semaphore_mem>> -> memref<1x!tpu.dma_semaphore, #tpu.memory_space<semaphore_mem>>
    %dma_wait3A_480 = tpu.memref_squeeze %dma_wait3A_479 : memref<1x!tpu.dma_semaphore, #tpu.memory_space<semaphore_mem>> -> memref<!tpu.dma_semaphore, #tpu.memory_space<semaphore_mem>>
    %dma_wait3A_481 = arith.constant 75 : i32
    %dma_wait3A_482 = arith.constant 0 : i32
    %dma_wait3A_483 = arith.constant 0 : i32
    %dma_wait3A_484 = tpu.memref_slice %arg3[%dma_wait3A_481, %dma_wait3A_482, %dma_wait3A_483] : memref<201x1024x128xf32, #tpu.memory_space<hbm>> -> memref<3x1024x128xf32, #tpu.memory_space<hbm>>
    tpu.wait_dma2 semaphore(%dma_wait3A_480 : memref<!tpu.dma_semaphore, #tpu.memory_space<semaphore_mem>>) src(%arg4 : memref<3x1024x128xf32, #tpu.memory_space<vmem>>) dst(%dma_wait3A_484 : memref<3x1024x128xf32, #tpu.memory_space<hbm>>)
    %dma_wait3A_485 = arith.constant 2 : i32
    %dma_wait3A_486 = tpu.memref_slice %arg5[%dma_wait3A_485] : memref<8x!tpu.dma_semaphore, #tpu.memory_space<semaphore_mem>> -> memref<1x!tpu.dma_semaphore, #tpu.memory_space<semaphore_mem>>
    %dma_wait3A_487 = tpu.memref_squeeze %dma_wait3A_486 : memref<1x!tpu.dma_semaphore, #tpu.memory_space<semaphore_mem>> -> memref<!tpu.dma_semaphore, #tpu.memory_space<semaphore_mem>>
    %dma_wait3A_488 = arith.constant 78 : i32
    %dma_wait3A_489 = arith.constant 0 : i32
    %dma_wait3A_490 = arith.constant 0 : i32
    %dma_wait3A_491 = tpu.memref_slice %arg3[%dma_wait3A_488, %dma_wait3A_489, %dma_wait3A_490] : memref<201x1024x128xf32, #tpu.memory_space<hbm>> -> memref<3x1024x128xf32, #tpu.memory_space<hbm>>
    tpu.wait_dma2 semaphore(%dma_wait3A_487 : memref<!tpu.dma_semaphore, #tpu.memory_space<semaphore_mem>>) src(%arg4 : memref<3x1024x128xf32, #tpu.memory_space<vmem>>) dst(%dma_wait3A_491 : memref<3x1024x128xf32, #tpu.memory_space<hbm>>)
    %dma_wait3A_492 = arith.constant 3 : i32
    %dma_wait3A_493 = tpu.memref_slice %arg5[%dma_wait3A_492] : memref<8x!tpu.dma_semaphore, #tpu.memory_space<semaphore_mem>> -> memref<1x!tpu.dma_semaphore, #tpu.memory_space<semaphore_mem>>
    %dma_wait3A_494 = tpu.memref_squeeze %dma_wait3A_493 : memref<1x!tpu.dma_semaphore, #tpu.memory_space<semaphore_mem>> -> memref<!tpu.dma_semaphore, #tpu.memory_space<semaphore_mem>>
    %dma_wait3A_495 = arith.constant 81 : i32
    %dma_wait3A_496 = arith.constant 0 : i32
    %dma_wait3A_497 = arith.constant 0 : i32
    %dma_wait3A_498 = tpu.memref_slice %arg3[%dma_wait3A_495, %dma_wait3A_496, %dma_wait3A_497] : memref<201x1024x128xf32, #tpu.memory_space<hbm>> -> memref<3x1024x128xf32, #tpu.memory_space<hbm>>
    tpu.wait_dma2 semaphore(%dma_wait3A_494 : memref<!tpu.dma_semaphore, #tpu.memory_space<semaphore_mem>>) src(%arg4 : memref<3x1024x128xf32, #tpu.memory_space<vmem>>) dst(%dma_wait3A_498 : memref<3x1024x128xf32, #tpu.memory_space<hbm>>)
    %dma_wait3A_499 = arith.constant 4 : i32
    %dma_wait3A_500 = tpu.memref_slice %arg5[%dma_wait3A_499] : memref<8x!tpu.dma_semaphore, #tpu.memory_space<semaphore_mem>> -> memref<1x!tpu.dma_semaphore, #tpu.memory_space<semaphore_mem>>
    %dma_wait3A_501 = tpu.memref_squeeze %dma_wait3A_500 : memref<1x!tpu.dma_semaphore, #tpu.memory_space<semaphore_mem>> -> memref<!tpu.dma_semaphore, #tpu.memory_space<semaphore_mem>>
    %dma_wait3A_502 = arith.constant 84 : i32
    %dma_wait3A_503 = arith.constant 0 : i32
    %dma_wait3A_504 = arith.constant 0 : i32
    %dma_wait3A_505 = tpu.memref_slice %arg3[%dma_wait3A_502, %dma_wait3A_503, %dma_wait3A_504] : memref<201x1024x128xf32, #tpu.memory_space<hbm>> -> memref<3x1024x128xf32, #tpu.memory_space<hbm>>
    tpu.wait_dma2 semaphore(%dma_wait3A_501 : memref<!tpu.dma_semaphore, #tpu.memory_space<semaphore_mem>>) src(%arg4 : memref<3x1024x128xf32, #tpu.memory_space<vmem>>) dst(%dma_wait3A_505 : memref<3x1024x128xf32, #tpu.memory_space<hbm>>)
    %dma_wait3A_506 = arith.constant 5 : i32
    %dma_wait3A_507 = tpu.memref_slice %arg5[%dma_wait3A_506] : memref<8x!tpu.dma_semaphore, #tpu.memory_space<semaphore_mem>> -> memref<1x!tpu.dma_semaphore, #tpu.memory_space<semaphore_mem>>
    %dma_wait3A_508 = tpu.memref_squeeze %dma_wait3A_507 : memref<1x!tpu.dma_semaphore, #tpu.memory_space<semaphore_mem>> -> memref<!tpu.dma_semaphore, #tpu.memory_space<semaphore_mem>>
    %dma_wait3A_509 = arith.constant 87 : i32
    %dma_wait3A_510 = arith.constant 0 : i32
    %dma_wait3A_511 = arith.constant 0 : i32
    %dma_wait3A_512 = tpu.memref_slice %arg3[%dma_wait3A_509, %dma_wait3A_510, %dma_wait3A_511] : memref<201x1024x128xf32, #tpu.memory_space<hbm>> -> memref<3x1024x128xf32, #tpu.memory_space<hbm>>
    tpu.wait_dma2 semaphore(%dma_wait3A_508 : memref<!tpu.dma_semaphore, #tpu.memory_space<semaphore_mem>>) src(%arg4 : memref<3x1024x128xf32, #tpu.memory_space<vmem>>) dst(%dma_wait3A_512 : memref<3x1024x128xf32, #tpu.memory_space<hbm>>)
    %dma_wait3A_513 = arith.constant 6 : i32
    %dma_wait3A_514 = tpu.memref_slice %arg5[%dma_wait3A_513] : memref<8x!tpu.dma_semaphore, #tpu.memory_space<semaphore_mem>> -> memref<1x!tpu.dma_semaphore, #tpu.memory_space<semaphore_mem>>
    %dma_wait3A_515 = tpu.memref_squeeze %dma_wait3A_514 : memref<1x!tpu.dma_semaphore, #tpu.memory_space<semaphore_mem>> -> memref<!tpu.dma_semaphore, #tpu.memory_space<semaphore_mem>>
    %dma_wait3A_516 = arith.constant 90 : i32
    %dma_wait3A_517 = arith.constant 0 : i32
    %dma_wait3A_518 = arith.constant 0 : i32
    %dma_wait3A_519 = tpu.memref_slice %arg3[%dma_wait3A_516, %dma_wait3A_517, %dma_wait3A_518] : memref<201x1024x128xf32, #tpu.memory_space<hbm>> -> memref<3x1024x128xf32, #tpu.memory_space<hbm>>
    tpu.wait_dma2 semaphore(%dma_wait3A_515 : memref<!tpu.dma_semaphore, #tpu.memory_space<semaphore_mem>>) src(%arg4 : memref<3x1024x128xf32, #tpu.memory_space<vmem>>) dst(%dma_wait3A_519 : memref<3x1024x128xf32, #tpu.memory_space<hbm>>)
    %dma_wait3A_520 = arith.constant 7 : i32
    %dma_wait3A_521 = tpu.memref_slice %arg5[%dma_wait3A_520] : memref<8x!tpu.dma_semaphore, #tpu.memory_space<semaphore_mem>> -> memref<1x!tpu.dma_semaphore, #tpu.memory_space<semaphore_mem>>
    %dma_wait3A_522 = tpu.memref_squeeze %dma_wait3A_521 : memref<1x!tpu.dma_semaphore, #tpu.memory_space<semaphore_mem>> -> memref<!tpu.dma_semaphore, #tpu.memory_space<semaphore_mem>>
    %dma_wait3A_523 = arith.constant 93 : i32
    %dma_wait3A_524 = arith.constant 0 : i32
    %dma_wait3A_525 = arith.constant 0 : i32
    %dma_wait3A_526 = tpu.memref_slice %arg3[%dma_wait3A_523, %dma_wait3A_524, %dma_wait3A_525] : memref<201x1024x128xf32, #tpu.memory_space<hbm>> -> memref<3x1024x128xf32, #tpu.memory_space<hbm>>
    tpu.wait_dma2 semaphore(%dma_wait3A_522 : memref<!tpu.dma_semaphore, #tpu.memory_space<semaphore_mem>>) src(%arg4 : memref<3x1024x128xf32, #tpu.memory_space<vmem>>) dst(%dma_wait3A_526 : memref<3x1024x128xf32, #tpu.memory_space<hbm>>)
    %dma_wait3A_527 = arith.constant 0 : i32
    %dma_wait3A_528 = tpu.memref_slice %arg5[%dma_wait3A_527] : memref<8x!tpu.dma_semaphore, #tpu.memory_space<semaphore_mem>> -> memref<1x!tpu.dma_semaphore, #tpu.memory_space<semaphore_mem>>
    %dma_wait3A_529 = tpu.memref_squeeze %dma_wait3A_528 : memref<1x!tpu.dma_semaphore, #tpu.memory_space<semaphore_mem>> -> memref<!tpu.dma_semaphore, #tpu.memory_space<semaphore_mem>>
    %dma_wait3A_530 = arith.constant 96 : i32
    %dma_wait3A_531 = arith.constant 0 : i32
    %dma_wait3A_532 = arith.constant 0 : i32
    %dma_wait3A_533 = tpu.memref_slice %arg3[%dma_wait3A_530, %dma_wait3A_531, %dma_wait3A_532] : memref<201x1024x128xf32, #tpu.memory_space<hbm>> -> memref<3x1024x128xf32, #tpu.memory_space<hbm>>
    tpu.wait_dma2 semaphore(%dma_wait3A_529 : memref<!tpu.dma_semaphore, #tpu.memory_space<semaphore_mem>>) src(%arg4 : memref<3x1024x128xf32, #tpu.memory_space<vmem>>) dst(%dma_wait3A_533 : memref<3x1024x128xf32, #tpu.memory_space<hbm>>)
    %dma_wait3A_534 = arith.constant 1 : i32
    %dma_wait3A_535 = tpu.memref_slice %arg5[%dma_wait3A_534] : memref<8x!tpu.dma_semaphore, #tpu.memory_space<semaphore_mem>> -> memref<1x!tpu.dma_semaphore, #tpu.memory_space<semaphore_mem>>
    %dma_wait3A_536 = tpu.memref_squeeze %dma_wait3A_535 : memref<1x!tpu.dma_semaphore, #tpu.memory_space<semaphore_mem>> -> memref<!tpu.dma_semaphore, #tpu.memory_space<semaphore_mem>>
    %dma_wait3A_537 = arith.constant 99 : i32
    %dma_wait3A_538 = arith.constant 0 : i32
    %dma_wait3A_539 = arith.constant 0 : i32
    %dma_wait3A_540 = tpu.memref_slice %arg3[%dma_wait3A_537, %dma_wait3A_538, %dma_wait3A_539] : memref<201x1024x128xf32, #tpu.memory_space<hbm>> -> memref<3x1024x128xf32, #tpu.memory_space<hbm>>
    tpu.wait_dma2 semaphore(%dma_wait3A_536 : memref<!tpu.dma_semaphore, #tpu.memory_space<semaphore_mem>>) src(%arg4 : memref<3x1024x128xf32, #tpu.memory_space<vmem>>) dst(%dma_wait3A_540 : memref<3x1024x128xf32, #tpu.memory_space<hbm>>)
    %dma_wait3A_541 = arith.constant 2 : i32
    %dma_wait3A_542 = tpu.memref_slice %arg5[%dma_wait3A_541] : memref<8x!tpu.dma_semaphore, #tpu.memory_space<semaphore_mem>> -> memref<1x!tpu.dma_semaphore, #tpu.memory_space<semaphore_mem>>
    %dma_wait3A_543 = tpu.memref_squeeze %dma_wait3A_542 : memref<1x!tpu.dma_semaphore, #tpu.memory_space<semaphore_mem>> -> memref<!tpu.dma_semaphore, #tpu.memory_space<semaphore_mem>>
    %dma_wait3A_544 = arith.constant 102 : i32
    %dma_wait3A_545 = arith.constant 0 : i32
    %dma_wait3A_546 = arith.constant 0 : i32
    %dma_wait3A_547 = tpu.memref_slice %arg3[%dma_wait3A_544, %dma_wait3A_545, %dma_wait3A_546] : memref<201x1024x128xf32, #tpu.memory_space<hbm>> -> memref<3x1024x128xf32, #tpu.memory_space<hbm>>
    tpu.wait_dma2 semaphore(%dma_wait3A_543 : memref<!tpu.dma_semaphore, #tpu.memory_space<semaphore_mem>>) src(%arg4 : memref<3x1024x128xf32, #tpu.memory_space<vmem>>) dst(%dma_wait3A_547 : memref<3x1024x128xf32, #tpu.memory_space<hbm>>)
    %dma_wait3A_548 = arith.constant 3 : i32
    %dma_wait3A_549 = tpu.memref_slice %arg5[%dma_wait3A_548] : memref<8x!tpu.dma_semaphore, #tpu.memory_space<semaphore_mem>> -> memref<1x!tpu.dma_semaphore, #tpu.memory_space<semaphore_mem>>
    %dma_wait3A_550 = tpu.memref_squeeze %dma_wait3A_549 : memref<1x!tpu.dma_semaphore, #tpu.memory_space<semaphore_mem>> -> memref<!tpu.dma_semaphore, #tpu.memory_space<semaphore_mem>>
    %dma_wait3A_551 = arith.constant 105 : i32
    %dma_wait3A_552 = arith.constant 0 : i32
    %dma_wait3A_553 = arith.constant 0 : i32
    %dma_wait3A_554 = tpu.memref_slice %arg3[%dma_wait3A_551, %dma_wait3A_552, %dma_wait3A_553] : memref<201x1024x128xf32, #tpu.memory_space<hbm>> -> memref<3x1024x128xf32, #tpu.memory_space<hbm>>
    tpu.wait_dma2 semaphore(%dma_wait3A_550 : memref<!tpu.dma_semaphore, #tpu.memory_space<semaphore_mem>>) src(%arg4 : memref<3x1024x128xf32, #tpu.memory_space<vmem>>) dst(%dma_wait3A_554 : memref<3x1024x128xf32, #tpu.memory_space<hbm>>)
    %dma_wait3A_555 = arith.constant 4 : i32
    %dma_wait3A_556 = tpu.memref_slice %arg5[%dma_wait3A_555] : memref<8x!tpu.dma_semaphore, #tpu.memory_space<semaphore_mem>> -> memref<1x!tpu.dma_semaphore, #tpu.memory_space<semaphore_mem>>
    %dma_wait3A_557 = tpu.memref_squeeze %dma_wait3A_556 : memref<1x!tpu.dma_semaphore, #tpu.memory_space<semaphore_mem>> -> memref<!tpu.dma_semaphore, #tpu.memory_space<semaphore_mem>>
    %dma_wait3A_558 = arith.constant 108 : i32
    %dma_wait3A_559 = arith.constant 0 : i32
    %dma_wait3A_560 = arith.constant 0 : i32
    %dma_wait3A_561 = tpu.memref_slice %arg3[%dma_wait3A_558, %dma_wait3A_559, %dma_wait3A_560] : memref<201x1024x128xf32, #tpu.memory_space<hbm>> -> memref<3x1024x128xf32, #tpu.memory_space<hbm>>
    tpu.wait_dma2 semaphore(%dma_wait3A_557 : memref<!tpu.dma_semaphore, #tpu.memory_space<semaphore_mem>>) src(%arg4 : memref<3x1024x128xf32, #tpu.memory_space<vmem>>) dst(%dma_wait3A_561 : memref<3x1024x128xf32, #tpu.memory_space<hbm>>)
    %dma_wait3A_562 = arith.constant 5 : i32
    %dma_wait3A_563 = tpu.memref_slice %arg5[%dma_wait3A_562] : memref<8x!tpu.dma_semaphore, #tpu.memory_space<semaphore_mem>> -> memref<1x!tpu.dma_semaphore, #tpu.memory_space<semaphore_mem>>
    %dma_wait3A_564 = tpu.memref_squeeze %dma_wait3A_563 : memref<1x!tpu.dma_semaphore, #tpu.memory_space<semaphore_mem>> -> memref<!tpu.dma_semaphore, #tpu.memory_space<semaphore_mem>>
    %dma_wait3A_565 = arith.constant 111 : i32
    %dma_wait3A_566 = arith.constant 0 : i32
    %dma_wait3A_567 = arith.constant 0 : i32
    %dma_wait3A_568 = tpu.memref_slice %arg3[%dma_wait3A_565, %dma_wait3A_566, %dma_wait3A_567] : memref<201x1024x128xf32, #tpu.memory_space<hbm>> -> memref<3x1024x128xf32, #tpu.memory_space<hbm>>
    tpu.wait_dma2 semaphore(%dma_wait3A_564 : memref<!tpu.dma_semaphore, #tpu.memory_space<semaphore_mem>>) src(%arg4 : memref<3x1024x128xf32, #tpu.memory_space<vmem>>) dst(%dma_wait3A_568 : memref<3x1024x128xf32, #tpu.memory_space<hbm>>)
    %dma_wait3A_569 = arith.constant 6 : i32
    %dma_wait3A_570 = tpu.memref_slice %arg5[%dma_wait3A_569] : memref<8x!tpu.dma_semaphore, #tpu.memory_space<semaphore_mem>> -> memref<1x!tpu.dma_semaphore, #tpu.memory_space<semaphore_mem>>
    %dma_wait3A_571 = tpu.memref_squeeze %dma_wait3A_570 : memref<1x!tpu.dma_semaphore, #tpu.memory_space<semaphore_mem>> -> memref<!tpu.dma_semaphore, #tpu.memory_space<semaphore_mem>>
    %dma_wait3A_572 = arith.constant 114 : i32
    %dma_wait3A_573 = arith.constant 0 : i32
    %dma_wait3A_574 = arith.constant 0 : i32
    %dma_wait3A_575 = tpu.memref_slice %arg3[%dma_wait3A_572, %dma_wait3A_573, %dma_wait3A_574] : memref<201x1024x128xf32, #tpu.memory_space<hbm>> -> memref<3x1024x128xf32, #tpu.memory_space<hbm>>
    tpu.wait_dma2 semaphore(%dma_wait3A_571 : memref<!tpu.dma_semaphore, #tpu.memory_space<semaphore_mem>>) src(%arg4 : memref<3x1024x128xf32, #tpu.memory_space<vmem>>) dst(%dma_wait3A_575 : memref<3x1024x128xf32, #tpu.memory_space<hbm>>)
    %dma_wait3A_576 = arith.constant 7 : i32
    %dma_wait3A_577 = tpu.memref_slice %arg5[%dma_wait3A_576] : memref<8x!tpu.dma_semaphore, #tpu.memory_space<semaphore_mem>> -> memref<1x!tpu.dma_semaphore, #tpu.memory_space<semaphore_mem>>
    %dma_wait3A_578 = tpu.memref_squeeze %dma_wait3A_577 : memref<1x!tpu.dma_semaphore, #tpu.memory_space<semaphore_mem>> -> memref<!tpu.dma_semaphore, #tpu.memory_space<semaphore_mem>>
    %dma_wait3A_579 = arith.constant 117 : i32
    %dma_wait3A_580 = arith.constant 0 : i32
    %dma_wait3A_581 = arith.constant 0 : i32
    %dma_wait3A_582 = tpu.memref_slice %arg3[%dma_wait3A_579, %dma_wait3A_580, %dma_wait3A_581] : memref<201x1024x128xf32, #tpu.memory_space<hbm>> -> memref<3x1024x128xf32, #tpu.memory_space<hbm>>
    tpu.wait_dma2 semaphore(%dma_wait3A_578 : memref<!tpu.dma_semaphore, #tpu.memory_space<semaphore_mem>>) src(%arg4 : memref<3x1024x128xf32, #tpu.memory_space<vmem>>) dst(%dma_wait3A_582 : memref<3x1024x128xf32, #tpu.memory_space<hbm>>)
    %dma_wait3A_583 = arith.constant 0 : i32
    %dma_wait3A_584 = tpu.memref_slice %arg5[%dma_wait3A_583] : memref<8x!tpu.dma_semaphore, #tpu.memory_space<semaphore_mem>> -> memref<1x!tpu.dma_semaphore, #tpu.memory_space<semaphore_mem>>
    %dma_wait3A_585 = tpu.memref_squeeze %dma_wait3A_584 : memref<1x!tpu.dma_semaphore, #tpu.memory_space<semaphore_mem>> -> memref<!tpu.dma_semaphore, #tpu.memory_space<semaphore_mem>>
    %dma_wait3A_586 = arith.constant 120 : i32
    %dma_wait3A_587 = arith.constant 0 : i32
    %dma_wait3A_588 = arith.constant 0 : i32
    %dma_wait3A_589 = tpu.memref_slice %arg3[%dma_wait3A_586, %dma_wait3A_587, %dma_wait3A_588] : memref<201x1024x128xf32, #tpu.memory_space<hbm>> -> memref<3x1024x128xf32, #tpu.memory_space<hbm>>
    tpu.wait_dma2 semaphore(%dma_wait3A_585 : memref<!tpu.dma_semaphore, #tpu.memory_space<semaphore_mem>>) src(%arg4 : memref<3x1024x128xf32, #tpu.memory_space<vmem>>) dst(%dma_wait3A_589 : memref<3x1024x128xf32, #tpu.memory_space<hbm>>)
    %dma_wait3A_590 = arith.constant 1 : i32
    %dma_wait3A_591 = tpu.memref_slice %arg5[%dma_wait3A_590] : memref<8x!tpu.dma_semaphore, #tpu.memory_space<semaphore_mem>> -> memref<1x!tpu.dma_semaphore, #tpu.memory_space<semaphore_mem>>
    %dma_wait3A_592 = tpu.memref_squeeze %dma_wait3A_591 : memref<1x!tpu.dma_semaphore, #tpu.memory_space<semaphore_mem>> -> memref<!tpu.dma_semaphore, #tpu.memory_space<semaphore_mem>>
    %dma_wait3A_593 = arith.constant 123 : i32
    %dma_wait3A_594 = arith.constant 0 : i32
    %dma_wait3A_595 = arith.constant 0 : i32
    %dma_wait3A_596 = tpu.memref_slice %arg3[%dma_wait3A_593, %dma_wait3A_594, %dma_wait3A_595] : memref<201x1024x128xf32, #tpu.memory_space<hbm>> -> memref<3x1024x128xf32, #tpu.memory_space<hbm>>
    tpu.wait_dma2 semaphore(%dma_wait3A_592 : memref<!tpu.dma_semaphore, #tpu.memory_space<semaphore_mem>>) src(%arg4 : memref<3x1024x128xf32, #tpu.memory_space<vmem>>) dst(%dma_wait3A_596 : memref<3x1024x128xf32, #tpu.memory_space<hbm>>)
    %dma_wait3A_597 = arith.constant 2 : i32
    %dma_wait3A_598 = tpu.memref_slice %arg5[%dma_wait3A_597] : memref<8x!tpu.dma_semaphore, #tpu.memory_space<semaphore_mem>> -> memref<1x!tpu.dma_semaphore, #tpu.memory_space<semaphore_mem>>
    %dma_wait3A_599 = tpu.memref_squeeze %dma_wait3A_598 : memref<1x!tpu.dma_semaphore, #tpu.memory_space<semaphore_mem>> -> memref<!tpu.dma_semaphore, #tpu.memory_space<semaphore_mem>>
    %dma_wait3A_600 = arith.constant 126 : i32
    %dma_wait3A_601 = arith.constant 0 : i32
    %dma_wait3A_602 = arith.constant 0 : i32
    %dma_wait3A_603 = tpu.memref_slice %arg3[%dma_wait3A_600, %dma_wait3A_601, %dma_wait3A_602] : memref<201x1024x128xf32, #tpu.memory_space<hbm>> -> memref<3x1024x128xf32, #tpu.memory_space<hbm>>
    tpu.wait_dma2 semaphore(%dma_wait3A_599 : memref<!tpu.dma_semaphore, #tpu.memory_space<semaphore_mem>>) src(%arg4 : memref<3x1024x128xf32, #tpu.memory_space<vmem>>) dst(%dma_wait3A_603 : memref<3x1024x128xf32, #tpu.memory_space<hbm>>)
    %dma_wait3A_604 = arith.constant 3 : i32
    %dma_wait3A_605 = tpu.memref_slice %arg5[%dma_wait3A_604] : memref<8x!tpu.dma_semaphore, #tpu.memory_space<semaphore_mem>> -> memref<1x!tpu.dma_semaphore, #tpu.memory_space<semaphore_mem>>
    %dma_wait3A_606 = tpu.memref_squeeze %dma_wait3A_605 : memref<1x!tpu.dma_semaphore, #tpu.memory_space<semaphore_mem>> -> memref<!tpu.dma_semaphore, #tpu.memory_space<semaphore_mem>>
    %dma_wait3A_607 = arith.constant 129 : i32
    %dma_wait3A_608 = arith.constant 0 : i32
    %dma_wait3A_609 = arith.constant 0 : i32
    %dma_wait3A_610 = tpu.memref_slice %arg3[%dma_wait3A_607, %dma_wait3A_608, %dma_wait3A_609] : memref<201x1024x128xf32, #tpu.memory_space<hbm>> -> memref<3x1024x128xf32, #tpu.memory_space<hbm>>
    tpu.wait_dma2 semaphore(%dma_wait3A_606 : memref<!tpu.dma_semaphore, #tpu.memory_space<semaphore_mem>>) src(%arg4 : memref<3x1024x128xf32, #tpu.memory_space<vmem>>) dst(%dma_wait3A_610 : memref<3x1024x128xf32, #tpu.memory_space<hbm>>)
    %dma_wait3A_611 = arith.constant 4 : i32
    %dma_wait3A_612 = tpu.memref_slice %arg5[%dma_wait3A_611] : memref<8x!tpu.dma_semaphore, #tpu.memory_space<semaphore_mem>> -> memref<1x!tpu.dma_semaphore, #tpu.memory_space<semaphore_mem>>
    %dma_wait3A_613 = tpu.memref_squeeze %dma_wait3A_612 : memref<1x!tpu.dma_semaphore, #tpu.memory_space<semaphore_mem>> -> memref<!tpu.dma_semaphore, #tpu.memory_space<semaphore_mem>>
    %dma_wait3A_614 = arith.constant 132 : i32
    %dma_wait3A_615 = arith.constant 0 : i32
    %dma_wait3A_616 = arith.constant 0 : i32
    %dma_wait3A_617 = tpu.memref_slice %arg3[%dma_wait3A_614, %dma_wait3A_615, %dma_wait3A_616] : memref<201x1024x128xf32, #tpu.memory_space<hbm>> -> memref<3x1024x128xf32, #tpu.memory_space<hbm>>
    tpu.wait_dma2 semaphore(%dma_wait3A_613 : memref<!tpu.dma_semaphore, #tpu.memory_space<semaphore_mem>>) src(%arg4 : memref<3x1024x128xf32, #tpu.memory_space<vmem>>) dst(%dma_wait3A_617 : memref<3x1024x128xf32, #tpu.memory_space<hbm>>)
    %dma_wait3A_618 = arith.constant 5 : i32
    %dma_wait3A_619 = tpu.memref_slice %arg5[%dma_wait3A_618] : memref<8x!tpu.dma_semaphore, #tpu.memory_space<semaphore_mem>> -> memref<1x!tpu.dma_semaphore, #tpu.memory_space<semaphore_mem>>
    %dma_wait3A_620 = tpu.memref_squeeze %dma_wait3A_619 : memref<1x!tpu.dma_semaphore, #tpu.memory_space<semaphore_mem>> -> memref<!tpu.dma_semaphore, #tpu.memory_space<semaphore_mem>>
    %dma_wait3A_621 = arith.constant 135 : i32
    %dma_wait3A_622 = arith.constant 0 : i32
    %dma_wait3A_623 = arith.constant 0 : i32
    %dma_wait3A_624 = tpu.memref_slice %arg3[%dma_wait3A_621, %dma_wait3A_622, %dma_wait3A_623] : memref<201x1024x128xf32, #tpu.memory_space<hbm>> -> memref<3x1024x128xf32, #tpu.memory_space<hbm>>
    tpu.wait_dma2 semaphore(%dma_wait3A_620 : memref<!tpu.dma_semaphore, #tpu.memory_space<semaphore_mem>>) src(%arg4 : memref<3x1024x128xf32, #tpu.memory_space<vmem>>) dst(%dma_wait3A_624 : memref<3x1024x128xf32, #tpu.memory_space<hbm>>)
    %dma_wait3A_625 = arith.constant 6 : i32
    %dma_wait3A_626 = tpu.memref_slice %arg5[%dma_wait3A_625] : memref<8x!tpu.dma_semaphore, #tpu.memory_space<semaphore_mem>> -> memref<1x!tpu.dma_semaphore, #tpu.memory_space<semaphore_mem>>
    %dma_wait3A_627 = tpu.memref_squeeze %dma_wait3A_626 : memref<1x!tpu.dma_semaphore, #tpu.memory_space<semaphore_mem>> -> memref<!tpu.dma_semaphore, #tpu.memory_space<semaphore_mem>>
    %dma_wait3A_628 = arith.constant 138 : i32
    %dma_wait3A_629 = arith.constant 0 : i32
    %dma_wait3A_630 = arith.constant 0 : i32
    %dma_wait3A_631 = tpu.memref_slice %arg3[%dma_wait3A_628, %dma_wait3A_629, %dma_wait3A_630] : memref<201x1024x128xf32, #tpu.memory_space<hbm>> -> memref<3x1024x128xf32, #tpu.memory_space<hbm>>
    tpu.wait_dma2 semaphore(%dma_wait3A_627 : memref<!tpu.dma_semaphore, #tpu.memory_space<semaphore_mem>>) src(%arg4 : memref<3x1024x128xf32, #tpu.memory_space<vmem>>) dst(%dma_wait3A_631 : memref<3x1024x128xf32, #tpu.memory_space<hbm>>)
    %dma_wait3A_632 = arith.constant 7 : i32
    %dma_wait3A_633 = tpu.memref_slice %arg5[%dma_wait3A_632] : memref<8x!tpu.dma_semaphore, #tpu.memory_space<semaphore_mem>> -> memref<1x!tpu.dma_semaphore, #tpu.memory_space<semaphore_mem>>
    %dma_wait3A_634 = tpu.memref_squeeze %dma_wait3A_633 : memref<1x!tpu.dma_semaphore, #tpu.memory_space<semaphore_mem>> -> memref<!tpu.dma_semaphore, #tpu.memory_space<semaphore_mem>>
    %dma_wait3A_635 = arith.constant 141 : i32
    %dma_wait3A_636 = arith.constant 0 : i32
    %dma_wait3A_637 = arith.constant 0 : i32
    %dma_wait3A_638 = tpu.memref_slice %arg3[%dma_wait3A_635, %dma_wait3A_636, %dma_wait3A_637] : memref<201x1024x128xf32, #tpu.memory_space<hbm>> -> memref<3x1024x128xf32, #tpu.memory_space<hbm>>
    tpu.wait_dma2 semaphore(%dma_wait3A_634 : memref<!tpu.dma_semaphore, #tpu.memory_space<semaphore_mem>>) src(%arg4 : memref<3x1024x128xf32, #tpu.memory_space<vmem>>) dst(%dma_wait3A_638 : memref<3x1024x128xf32, #tpu.memory_space<hbm>>)
    %dma_wait3A_639 = arith.constant 0 : i32
    %dma_wait3A_640 = tpu.memref_slice %arg5[%dma_wait3A_639] : memref<8x!tpu.dma_semaphore, #tpu.memory_space<semaphore_mem>> -> memref<1x!tpu.dma_semaphore, #tpu.memory_space<semaphore_mem>>
    %dma_wait3A_641 = tpu.memref_squeeze %dma_wait3A_640 : memref<1x!tpu.dma_semaphore, #tpu.memory_space<semaphore_mem>> -> memref<!tpu.dma_semaphore, #tpu.memory_space<semaphore_mem>>
    %dma_wait3A_642 = arith.constant 144 : i32
    %dma_wait3A_643 = arith.constant 0 : i32
    %dma_wait3A_644 = arith.constant 0 : i32
    %dma_wait3A_645 = tpu.memref_slice %arg3[%dma_wait3A_642, %dma_wait3A_643, %dma_wait3A_644] : memref<201x1024x128xf32, #tpu.memory_space<hbm>> -> memref<3x1024x128xf32, #tpu.memory_space<hbm>>
    tpu.wait_dma2 semaphore(%dma_wait3A_641 : memref<!tpu.dma_semaphore, #tpu.memory_space<semaphore_mem>>) src(%arg4 : memref<3x1024x128xf32, #tpu.memory_space<vmem>>) dst(%dma_wait3A_645 : memref<3x1024x128xf32, #tpu.memory_space<hbm>>)
    %dma_wait3A_646 = arith.constant 1 : i32
    %dma_wait3A_647 = tpu.memref_slice %arg5[%dma_wait3A_646] : memref<8x!tpu.dma_semaphore, #tpu.memory_space<semaphore_mem>> -> memref<1x!tpu.dma_semaphore, #tpu.memory_space<semaphore_mem>>
    %dma_wait3A_648 = tpu.memref_squeeze %dma_wait3A_647 : memref<1x!tpu.dma_semaphore, #tpu.memory_space<semaphore_mem>> -> memref<!tpu.dma_semaphore, #tpu.memory_space<semaphore_mem>>
    %dma_wait3A_649 = arith.constant 147 : i32
    %dma_wait3A_650 = arith.constant 0 : i32
    %dma_wait3A_651 = arith.constant 0 : i32
    %dma_wait3A_652 = tpu.memref_slice %arg3[%dma_wait3A_649, %dma_wait3A_650, %dma_wait3A_651] : memref<201x1024x128xf32, #tpu.memory_space<hbm>> -> memref<3x1024x128xf32, #tpu.memory_space<hbm>>
    tpu.wait_dma2 semaphore(%dma_wait3A_648 : memref<!tpu.dma_semaphore, #tpu.memory_space<semaphore_mem>>) src(%arg4 : memref<3x1024x128xf32, #tpu.memory_space<vmem>>) dst(%dma_wait3A_652 : memref<3x1024x128xf32, #tpu.memory_space<hbm>>)
    %dma_wait3A_653 = arith.constant 2 : i32
    %dma_wait3A_654 = tpu.memref_slice %arg5[%dma_wait3A_653] : memref<8x!tpu.dma_semaphore, #tpu.memory_space<semaphore_mem>> -> memref<1x!tpu.dma_semaphore, #tpu.memory_space<semaphore_mem>>
    %dma_wait3A_655 = tpu.memref_squeeze %dma_wait3A_654 : memref<1x!tpu.dma_semaphore, #tpu.memory_space<semaphore_mem>> -> memref<!tpu.dma_semaphore, #tpu.memory_space<semaphore_mem>>
    %dma_wait3A_656 = arith.constant 150 : i32
    %dma_wait3A_657 = arith.constant 0 : i32
    %dma_wait3A_658 = arith.constant 0 : i32
    %dma_wait3A_659 = tpu.memref_slice %arg3[%dma_wait3A_656, %dma_wait3A_657, %dma_wait3A_658] : memref<201x1024x128xf32, #tpu.memory_space<hbm>> -> memref<3x1024x128xf32, #tpu.memory_space<hbm>>
    tpu.wait_dma2 semaphore(%dma_wait3A_655 : memref<!tpu.dma_semaphore, #tpu.memory_space<semaphore_mem>>) src(%arg4 : memref<3x1024x128xf32, #tpu.memory_space<vmem>>) dst(%dma_wait3A_659 : memref<3x1024x128xf32, #tpu.memory_space<hbm>>)
    %dma_wait3A_660 = arith.constant 3 : i32
    %dma_wait3A_661 = tpu.memref_slice %arg5[%dma_wait3A_660] : memref<8x!tpu.dma_semaphore, #tpu.memory_space<semaphore_mem>> -> memref<1x!tpu.dma_semaphore, #tpu.memory_space<semaphore_mem>>
    %dma_wait3A_662 = tpu.memref_squeeze %dma_wait3A_661 : memref<1x!tpu.dma_semaphore, #tpu.memory_space<semaphore_mem>> -> memref<!tpu.dma_semaphore, #tpu.memory_space<semaphore_mem>>
    %dma_wait3A_663 = arith.constant 153 : i32
    %dma_wait3A_664 = arith.constant 0 : i32
    %dma_wait3A_665 = arith.constant 0 : i32
    %dma_wait3A_666 = tpu.memref_slice %arg3[%dma_wait3A_663, %dma_wait3A_664, %dma_wait3A_665] : memref<201x1024x128xf32, #tpu.memory_space<hbm>> -> memref<3x1024x128xf32, #tpu.memory_space<hbm>>
    tpu.wait_dma2 semaphore(%dma_wait3A_662 : memref<!tpu.dma_semaphore, #tpu.memory_space<semaphore_mem>>) src(%arg4 : memref<3x1024x128xf32, #tpu.memory_space<vmem>>) dst(%dma_wait3A_666 : memref<3x1024x128xf32, #tpu.memory_space<hbm>>)
    %dma_wait3A_667 = arith.constant 4 : i32
    %dma_wait3A_668 = tpu.memref_slice %arg5[%dma_wait3A_667] : memref<8x!tpu.dma_semaphore, #tpu.memory_space<semaphore_mem>> -> memref<1x!tpu.dma_semaphore, #tpu.memory_space<semaphore_mem>>
    %dma_wait3A_669 = tpu.memref_squeeze %dma_wait3A_668 : memref<1x!tpu.dma_semaphore, #tpu.memory_space<semaphore_mem>> -> memref<!tpu.dma_semaphore, #tpu.memory_space<semaphore_mem>>
    %dma_wait3A_670 = arith.constant 156 : i32
    %dma_wait3A_671 = arith.constant 0 : i32
    %dma_wait3A_672 = arith.constant 0 : i32
    %dma_wait3A_673 = tpu.memref_slice %arg3[%dma_wait3A_670, %dma_wait3A_671, %dma_wait3A_672] : memref<201x1024x128xf32, #tpu.memory_space<hbm>> -> memref<3x1024x128xf32, #tpu.memory_space<hbm>>
    tpu.wait_dma2 semaphore(%dma_wait3A_669 : memref<!tpu.dma_semaphore, #tpu.memory_space<semaphore_mem>>) src(%arg4 : memref<3x1024x128xf32, #tpu.memory_space<vmem>>) dst(%dma_wait3A_673 : memref<3x1024x128xf32, #tpu.memory_space<hbm>>)
    %dma_wait3A_674 = arith.constant 5 : i32
    %dma_wait3A_675 = tpu.memref_slice %arg5[%dma_wait3A_674] : memref<8x!tpu.dma_semaphore, #tpu.memory_space<semaphore_mem>> -> memref<1x!tpu.dma_semaphore, #tpu.memory_space<semaphore_mem>>
    %dma_wait3A_676 = tpu.memref_squeeze %dma_wait3A_675 : memref<1x!tpu.dma_semaphore, #tpu.memory_space<semaphore_mem>> -> memref<!tpu.dma_semaphore, #tpu.memory_space<semaphore_mem>>
    %dma_wait3A_677 = arith.constant 159 : i32
    %dma_wait3A_678 = arith.constant 0 : i32
    %dma_wait3A_679 = arith.constant 0 : i32
    %dma_wait3A_680 = tpu.memref_slice %arg3[%dma_wait3A_677, %dma_wait3A_678, %dma_wait3A_679] : memref<201x1024x128xf32, #tpu.memory_space<hbm>> -> memref<3x1024x128xf32, #tpu.memory_space<hbm>>
    tpu.wait_dma2 semaphore(%dma_wait3A_676 : memref<!tpu.dma_semaphore, #tpu.memory_space<semaphore_mem>>) src(%arg4 : memref<3x1024x128xf32, #tpu.memory_space<vmem>>) dst(%dma_wait3A_680 : memref<3x1024x128xf32, #tpu.memory_space<hbm>>)
    %dma_wait3A_681 = arith.constant 6 : i32
    %dma_wait3A_682 = tpu.memref_slice %arg5[%dma_wait3A_681] : memref<8x!tpu.dma_semaphore, #tpu.memory_space<semaphore_mem>> -> memref<1x!tpu.dma_semaphore, #tpu.memory_space<semaphore_mem>>
    %dma_wait3A_683 = tpu.memref_squeeze %dma_wait3A_682 : memref<1x!tpu.dma_semaphore, #tpu.memory_space<semaphore_mem>> -> memref<!tpu.dma_semaphore, #tpu.memory_space<semaphore_mem>>
    %dma_wait3A_684 = arith.constant 162 : i32
    %dma_wait3A_685 = arith.constant 0 : i32
    %dma_wait3A_686 = arith.constant 0 : i32
    %dma_wait3A_687 = tpu.memref_slice %arg3[%dma_wait3A_684, %dma_wait3A_685, %dma_wait3A_686] : memref<201x1024x128xf32, #tpu.memory_space<hbm>> -> memref<3x1024x128xf32, #tpu.memory_space<hbm>>
    tpu.wait_dma2 semaphore(%dma_wait3A_683 : memref<!tpu.dma_semaphore, #tpu.memory_space<semaphore_mem>>) src(%arg4 : memref<3x1024x128xf32, #tpu.memory_space<vmem>>) dst(%dma_wait3A_687 : memref<3x1024x128xf32, #tpu.memory_space<hbm>>)
    %dma_wait3A_688 = arith.constant 7 : i32
    %dma_wait3A_689 = tpu.memref_slice %arg5[%dma_wait3A_688] : memref<8x!tpu.dma_semaphore, #tpu.memory_space<semaphore_mem>> -> memref<1x!tpu.dma_semaphore, #tpu.memory_space<semaphore_mem>>
    %dma_wait3A_690 = tpu.memref_squeeze %dma_wait3A_689 : memref<1x!tpu.dma_semaphore, #tpu.memory_space<semaphore_mem>> -> memref<!tpu.dma_semaphore, #tpu.memory_space<semaphore_mem>>
    %dma_wait3A_691 = arith.constant 165 : i32
    %dma_wait3A_692 = arith.constant 0 : i32
    %dma_wait3A_693 = arith.constant 0 : i32
    %dma_wait3A_694 = tpu.memref_slice %arg3[%dma_wait3A_691, %dma_wait3A_692, %dma_wait3A_693] : memref<201x1024x128xf32, #tpu.memory_space<hbm>> -> memref<3x1024x128xf32, #tpu.memory_space<hbm>>
    tpu.wait_dma2 semaphore(%dma_wait3A_690 : memref<!tpu.dma_semaphore, #tpu.memory_space<semaphore_mem>>) src(%arg4 : memref<3x1024x128xf32, #tpu.memory_space<vmem>>) dst(%dma_wait3A_694 : memref<3x1024x128xf32, #tpu.memory_space<hbm>>)
    %dma_wait3A_695 = arith.constant 0 : i32
    %dma_wait3A_696 = tpu.memref_slice %arg5[%dma_wait3A_695] : memref<8x!tpu.dma_semaphore, #tpu.memory_space<semaphore_mem>> -> memref<1x!tpu.dma_semaphore, #tpu.memory_space<semaphore_mem>>
    %dma_wait3A_697 = tpu.memref_squeeze %dma_wait3A_696 : memref<1x!tpu.dma_semaphore, #tpu.memory_space<semaphore_mem>> -> memref<!tpu.dma_semaphore, #tpu.memory_space<semaphore_mem>>
    %dma_wait3A_698 = arith.constant 168 : i32
    %dma_wait3A_699 = arith.constant 0 : i32
    %dma_wait3A_700 = arith.constant 0 : i32
    %dma_wait3A_701 = tpu.memref_slice %arg3[%dma_wait3A_698, %dma_wait3A_699, %dma_wait3A_700] : memref<201x1024x128xf32, #tpu.memory_space<hbm>> -> memref<3x1024x128xf32, #tpu.memory_space<hbm>>
    tpu.wait_dma2 semaphore(%dma_wait3A_697 : memref<!tpu.dma_semaphore, #tpu.memory_space<semaphore_mem>>) src(%arg4 : memref<3x1024x128xf32, #tpu.memory_space<vmem>>) dst(%dma_wait3A_701 : memref<3x1024x128xf32, #tpu.memory_space<hbm>>)
    %dma_wait3A_702 = arith.constant 1 : i32
    %dma_wait3A_703 = tpu.memref_slice %arg5[%dma_wait3A_702] : memref<8x!tpu.dma_semaphore, #tpu.memory_space<semaphore_mem>> -> memref<1x!tpu.dma_semaphore, #tpu.memory_space<semaphore_mem>>
    %dma_wait3A_704 = tpu.memref_squeeze %dma_wait3A_703 : memref<1x!tpu.dma_semaphore, #tpu.memory_space<semaphore_mem>> -> memref<!tpu.dma_semaphore, #tpu.memory_space<semaphore_mem>>
    %dma_wait3A_705 = arith.constant 171 : i32
    %dma_wait3A_706 = arith.constant 0 : i32
    %dma_wait3A_707 = arith.constant 0 : i32
    %dma_wait3A_708 = tpu.memref_slice %arg3[%dma_wait3A_705, %dma_wait3A_706, %dma_wait3A_707] : memref<201x1024x128xf32, #tpu.memory_space<hbm>> -> memref<3x1024x128xf32, #tpu.memory_space<hbm>>
    tpu.wait_dma2 semaphore(%dma_wait3A_704 : memref<!tpu.dma_semaphore, #tpu.memory_space<semaphore_mem>>) src(%arg4 : memref<3x1024x128xf32, #tpu.memory_space<vmem>>) dst(%dma_wait3A_708 : memref<3x1024x128xf32, #tpu.memory_space<hbm>>)
    %dma_wait3A_709 = arith.constant 2 : i32
    %dma_wait3A_710 = tpu.memref_slice %arg5[%dma_wait3A_709] : memref<8x!tpu.dma_semaphore, #tpu.memory_space<semaphore_mem>> -> memref<1x!tpu.dma_semaphore, #tpu.memory_space<semaphore_mem>>
    %dma_wait3A_711 = tpu.memref_squeeze %dma_wait3A_710 : memref<1x!tpu.dma_semaphore, #tpu.memory_space<semaphore_mem>> -> memref<!tpu.dma_semaphore, #tpu.memory_space<semaphore_mem>>
    %dma_wait3A_712 = arith.constant 174 : i32
    %dma_wait3A_713 = arith.constant 0 : i32
    %dma_wait3A_714 = arith.constant 0 : i32
    %dma_wait3A_715 = tpu.memref_slice %arg3[%dma_wait3A_712, %dma_wait3A_713, %dma_wait3A_714] : memref<201x1024x128xf32, #tpu.memory_space<hbm>> -> memref<3x1024x128xf32, #tpu.memory_space<hbm>>
    tpu.wait_dma2 semaphore(%dma_wait3A_711 : memref<!tpu.dma_semaphore, #tpu.memory_space<semaphore_mem>>) src(%arg4 : memref<3x1024x128xf32, #tpu.memory_space<vmem>>) dst(%dma_wait3A_715 : memref<3x1024x128xf32, #tpu.memory_space<hbm>>)
    %dma_wait3A_716 = arith.constant 3 : i32
    %dma_wait3A_717 = tpu.memref_slice %arg5[%dma_wait3A_716] : memref<8x!tpu.dma_semaphore, #tpu.memory_space<semaphore_mem>> -> memref<1x!tpu.dma_semaphore, #tpu.memory_space<semaphore_mem>>
    %dma_wait3A_718 = tpu.memref_squeeze %dma_wait3A_717 : memref<1x!tpu.dma_semaphore, #tpu.memory_space<semaphore_mem>> -> memref<!tpu.dma_semaphore, #tpu.memory_space<semaphore_mem>>
    %dma_wait3A_719 = arith.constant 177 : i32
    %dma_wait3A_720 = arith.constant 0 : i32
    %dma_wait3A_721 = arith.constant 0 : i32
    %dma_wait3A_722 = tpu.memref_slice %arg3[%dma_wait3A_719, %dma_wait3A_720, %dma_wait3A_721] : memref<201x1024x128xf32, #tpu.memory_space<hbm>> -> memref<3x1024x128xf32, #tpu.memory_space<hbm>>
    tpu.wait_dma2 semaphore(%dma_wait3A_718 : memref<!tpu.dma_semaphore, #tpu.memory_space<semaphore_mem>>) src(%arg4 : memref<3x1024x128xf32, #tpu.memory_space<vmem>>) dst(%dma_wait3A_722 : memref<3x1024x128xf32, #tpu.memory_space<hbm>>)
    %dma_wait3A_723 = arith.constant 4 : i32
    %dma_wait3A_724 = tpu.memref_slice %arg5[%dma_wait3A_723] : memref<8x!tpu.dma_semaphore, #tpu.memory_space<semaphore_mem>> -> memref<1x!tpu.dma_semaphore, #tpu.memory_space<semaphore_mem>>
    %dma_wait3A_725 = tpu.memref_squeeze %dma_wait3A_724 : memref<1x!tpu.dma_semaphore, #tpu.memory_space<semaphore_mem>> -> memref<!tpu.dma_semaphore, #tpu.memory_space<semaphore_mem>>
    %dma_wait3A_726 = arith.constant 180 : i32
    %dma_wait3A_727 = arith.constant 0 : i32
    %dma_wait3A_728 = arith.constant 0 : i32
    %dma_wait3A_729 = tpu.memref_slice %arg3[%dma_wait3A_726, %dma_wait3A_727, %dma_wait3A_728] : memref<201x1024x128xf32, #tpu.memory_space<hbm>> -> memref<3x1024x128xf32, #tpu.memory_space<hbm>>
    tpu.wait_dma2 semaphore(%dma_wait3A_725 : memref<!tpu.dma_semaphore, #tpu.memory_space<semaphore_mem>>) src(%arg4 : memref<3x1024x128xf32, #tpu.memory_space<vmem>>) dst(%dma_wait3A_729 : memref<3x1024x128xf32, #tpu.memory_space<hbm>>)
    %dma_wait3A_730 = arith.constant 5 : i32
    %dma_wait3A_731 = tpu.memref_slice %arg5[%dma_wait3A_730] : memref<8x!tpu.dma_semaphore, #tpu.memory_space<semaphore_mem>> -> memref<1x!tpu.dma_semaphore, #tpu.memory_space<semaphore_mem>>
    %dma_wait3A_732 = tpu.memref_squeeze %dma_wait3A_731 : memref<1x!tpu.dma_semaphore, #tpu.memory_space<semaphore_mem>> -> memref<!tpu.dma_semaphore, #tpu.memory_space<semaphore_mem>>
    %dma_wait3A_733 = arith.constant 183 : i32
    %dma_wait3A_734 = arith.constant 0 : i32
    %dma_wait3A_735 = arith.constant 0 : i32
    %dma_wait3A_736 = tpu.memref_slice %arg3[%dma_wait3A_733, %dma_wait3A_734, %dma_wait3A_735] : memref<201x1024x128xf32, #tpu.memory_space<hbm>> -> memref<3x1024x128xf32, #tpu.memory_space<hbm>>
    tpu.wait_dma2 semaphore(%dma_wait3A_732 : memref<!tpu.dma_semaphore, #tpu.memory_space<semaphore_mem>>) src(%arg4 : memref<3x1024x128xf32, #tpu.memory_space<vmem>>) dst(%dma_wait3A_736 : memref<3x1024x128xf32, #tpu.memory_space<hbm>>)
    %dma_wait3A_737 = arith.constant 6 : i32
    %dma_wait3A_738 = tpu.memref_slice %arg5[%dma_wait3A_737] : memref<8x!tpu.dma_semaphore, #tpu.memory_space<semaphore_mem>> -> memref<1x!tpu.dma_semaphore, #tpu.memory_space<semaphore_mem>>
    %dma_wait3A_739 = tpu.memref_squeeze %dma_wait3A_738 : memref<1x!tpu.dma_semaphore, #tpu.memory_space<semaphore_mem>> -> memref<!tpu.dma_semaphore, #tpu.memory_space<semaphore_mem>>
    %dma_wait3A_740 = arith.constant 186 : i32
    %dma_wait3A_741 = arith.constant 0 : i32
    %dma_wait3A_742 = arith.constant 0 : i32
    %dma_wait3A_743 = tpu.memref_slice %arg3[%dma_wait3A_740, %dma_wait3A_741, %dma_wait3A_742] : memref<201x1024x128xf32, #tpu.memory_space<hbm>> -> memref<3x1024x128xf32, #tpu.memory_space<hbm>>
    tpu.wait_dma2 semaphore(%dma_wait3A_739 : memref<!tpu.dma_semaphore, #tpu.memory_space<semaphore_mem>>) src(%arg4 : memref<3x1024x128xf32, #tpu.memory_space<vmem>>) dst(%dma_wait3A_743 : memref<3x1024x128xf32, #tpu.memory_space<hbm>>)
    %dma_wait3A_744 = arith.constant 7 : i32
    %dma_wait3A_745 = tpu.memref_slice %arg5[%dma_wait3A_744] : memref<8x!tpu.dma_semaphore, #tpu.memory_space<semaphore_mem>> -> memref<1x!tpu.dma_semaphore, #tpu.memory_space<semaphore_mem>>
    %dma_wait3A_746 = tpu.memref_squeeze %dma_wait3A_745 : memref<1x!tpu.dma_semaphore, #tpu.memory_space<semaphore_mem>> -> memref<!tpu.dma_semaphore, #tpu.memory_space<semaphore_mem>>
    %dma_wait3A_747 = arith.constant 189 : i32
    %dma_wait3A_748 = arith.constant 0 : i32
    %dma_wait3A_749 = arith.constant 0 : i32
    %dma_wait3A_750 = tpu.memref_slice %arg3[%dma_wait3A_747, %dma_wait3A_748, %dma_wait3A_749] : memref<201x1024x128xf32, #tpu.memory_space<hbm>> -> memref<3x1024x128xf32, #tpu.memory_space<hbm>>
    tpu.wait_dma2 semaphore(%dma_wait3A_746 : memref<!tpu.dma_semaphore, #tpu.memory_space<semaphore_mem>>) src(%arg4 : memref<3x1024x128xf32, #tpu.memory_space<vmem>>) dst(%dma_wait3A_750 : memref<3x1024x128xf32, #tpu.memory_space<hbm>>)
    %dma_wait3A_751 = arith.constant 0 : i32
    %dma_wait3A_752 = tpu.memref_slice %arg5[%dma_wait3A_751] : memref<8x!tpu.dma_semaphore, #tpu.memory_space<semaphore_mem>> -> memref<1x!tpu.dma_semaphore, #tpu.memory_space<semaphore_mem>>
    %dma_wait3A_753 = tpu.memref_squeeze %dma_wait3A_752 : memref<1x!tpu.dma_semaphore, #tpu.memory_space<semaphore_mem>> -> memref<!tpu.dma_semaphore, #tpu.memory_space<semaphore_mem>>
    %dma_wait3A_754 = arith.constant 192 : i32
    %dma_wait3A_755 = arith.constant 0 : i32
    %dma_wait3A_756 = arith.constant 0 : i32
    %dma_wait3A_757 = tpu.memref_slice %arg3[%dma_wait3A_754, %dma_wait3A_755, %dma_wait3A_756] : memref<201x1024x128xf32, #tpu.memory_space<hbm>> -> memref<3x1024x128xf32, #tpu.memory_space<hbm>>
    tpu.wait_dma2 semaphore(%dma_wait3A_753 : memref<!tpu.dma_semaphore, #tpu.memory_space<semaphore_mem>>) src(%arg4 : memref<3x1024x128xf32, #tpu.memory_space<vmem>>) dst(%dma_wait3A_757 : memref<3x1024x128xf32, #tpu.memory_space<hbm>>)
    %dma_wait3A_758 = arith.constant 1 : i32
    %dma_wait3A_759 = tpu.memref_slice %arg5[%dma_wait3A_758] : memref<8x!tpu.dma_semaphore, #tpu.memory_space<semaphore_mem>> -> memref<1x!tpu.dma_semaphore, #tpu.memory_space<semaphore_mem>>
    %dma_wait3A_760 = tpu.memref_squeeze %dma_wait3A_759 : memref<1x!tpu.dma_semaphore, #tpu.memory_space<semaphore_mem>> -> memref<!tpu.dma_semaphore, #tpu.memory_space<semaphore_mem>>
    %dma_wait3A_761 = arith.constant 195 : i32
    %dma_wait3A_762 = arith.constant 0 : i32
    %dma_wait3A_763 = arith.constant 0 : i32
    %dma_wait3A_764 = tpu.memref_slice %arg3[%dma_wait3A_761, %dma_wait3A_762, %dma_wait3A_763] : memref<201x1024x128xf32, #tpu.memory_space<hbm>> -> memref<3x1024x128xf32, #tpu.memory_space<hbm>>
    tpu.wait_dma2 semaphore(%dma_wait3A_760 : memref<!tpu.dma_semaphore, #tpu.memory_space<semaphore_mem>>) src(%arg4 : memref<3x1024x128xf32, #tpu.memory_space<vmem>>) dst(%dma_wait3A_764 : memref<3x1024x128xf32, #tpu.memory_space<hbm>>)
    %dma_wait3A_765 = arith.constant 2 : i32
    %dma_wait3A_766 = tpu.memref_slice %arg5[%dma_wait3A_765] : memref<8x!tpu.dma_semaphore, #tpu.memory_space<semaphore_mem>> -> memref<1x!tpu.dma_semaphore, #tpu.memory_space<semaphore_mem>>
    %dma_wait3A_767 = tpu.memref_squeeze %dma_wait3A_766 : memref<1x!tpu.dma_semaphore, #tpu.memory_space<semaphore_mem>> -> memref<!tpu.dma_semaphore, #tpu.memory_space<semaphore_mem>>
    %dma_wait3A_768 = arith.constant 198 : i32
    %dma_wait3A_769 = arith.constant 0 : i32
    %dma_wait3A_770 = arith.constant 0 : i32
    %dma_wait3A_771 = tpu.memref_slice %arg3[%dma_wait3A_768, %dma_wait3A_769, %dma_wait3A_770] : memref<201x1024x128xf32, #tpu.memory_space<hbm>> -> memref<3x1024x128xf32, #tpu.memory_space<hbm>>
    tpu.wait_dma2 semaphore(%dma_wait3A_767 : memref<!tpu.dma_semaphore, #tpu.memory_space<semaphore_mem>>) src(%arg4 : memref<3x1024x128xf32, #tpu.memory_space<vmem>>) dst(%dma_wait3A_771 : memref<3x1024x128xf32, #tpu.memory_space<hbm>>)
    %scan3A = arith.constant 0 : i32
    %scan3A_772 = arith.constant 128 : i32
    %scan3A_773 = arith.addi %scan3A, %scan3A_772 : i32
    %scan3A_774 = arith.constant 1 : i32
    scf.for %scan3A_864 = %scan3A to %scan3A_773 step %scan3A_774  : i32 {
      %mul3A = arith.constant 8 : i32
      %mul3A_865 = arith.muli %scan3A_864, %mul3A : i32
      %add3A = arith.constant 0 : i32
      %add3A_866 = arith.addi %mul3A_865, %add3A : i32
      %get3A = arith.index_cast %add3A_866 : i32 to index
      %get3A_867 = memref.load %arg1[%get3A] : memref<1024xi32, #tpu.memory_space<smem>>
      %add3A_868 = arith.constant 1 : i32
      %add3A_869 = arith.addi %get3A_867, %add3A_868 : i32
      %dma_start3A_870 = arith.constant 0 : i32
      %dma_start3A_871 = tpu.memref_slice %arg6[%dma_start3A_870] : memref<8x!tpu.dma_semaphore, #tpu.memory_space<semaphore_mem>> -> memref<1x!tpu.dma_semaphore, #tpu.memory_space<semaphore_mem>>
      %dma_start3A_872 = tpu.memref_squeeze %dma_start3A_871 : memref<1x!tpu.dma_semaphore, #tpu.memory_space<semaphore_mem>> -> memref<!tpu.dma_semaphore, #tpu.memory_space<semaphore_mem>>
      %dma_start3A_873 = arith.constant 0 : i32
      %dma_start3A_874 = tpu.memref_slice %arg3[%add3A_869, %add3A_866, %dma_start3A_873] : memref<201x1024x128xf32, #tpu.memory_space<hbm>> -> memref<1x1x128xf32, #tpu.memory_space<hbm>>
      %dma_start3A_875 = tpu.memref_squeeze %dma_start3A_874 : memref<1x1x128xf32, #tpu.memory_space<hbm>> -> memref<1x128xf32, #tpu.memory_space<hbm>>
      %dma_start3A_876 = arith.constant 0 : i32
      %dma_start3A_877 = tpu.memref_slice %arg2[%add3A_866, %dma_start3A_876] : memref<1024x128xf32, #tpu.memory_space<vmem>> -> memref<1x128xf32, #tpu.memory_space<vmem>>
      tpu.enqueue_dma source(%dma_start3A_877 : memref<1x128xf32, #tpu.memory_space<vmem>>) target(%dma_start3A_875 : memref<1x128xf32, #tpu.memory_space<hbm>>) target_semaphore(%dma_start3A_872 : memref<!tpu.dma_semaphore, #tpu.memory_space<semaphore_mem>>)
      %mul3A_878 = arith.constant 8 : i32
      %mul3A_879 = arith.muli %scan3A_864, %mul3A_878 : i32
      %add3A_880 = arith.constant 1 : i32
      %add3A_881 = arith.addi %mul3A_879, %add3A_880 : i32
      %get3A_882 = arith.index_cast %add3A_881 : i32 to index
      %get3A_883 = memref.load %arg1[%get3A_882] : memref<1024xi32, #tpu.memory_space<smem>>
      %add3A_884 = arith.constant 1 : i32
      %add3A_885 = arith.addi %get3A_883, %add3A_884 : i32
      %dma_start3A_886 = arith.constant 1 : i32
      %dma_start3A_887 = tpu.memref_slice %arg6[%dma_start3A_886] : memref<8x!tpu.dma_semaphore, #tpu.memory_space<semaphore_mem>> -> memref<1x!tpu.dma_semaphore, #tpu.memory_space<semaphore_mem>>
      %dma_start3A_888 = tpu.memref_squeeze %dma_start3A_887 : memref<1x!tpu.dma_semaphore, #tpu.memory_space<semaphore_mem>> -> memref<!tpu.dma_semaphore, #tpu.memory_space<semaphore_mem>>
      %dma_start3A_889 = arith.constant 0 : i32
      %dma_start3A_890 = tpu.memref_slice %arg3[%add3A_885, %add3A_881, %dma_start3A_889] : memref<201x1024x128xf32, #tpu.memory_space<hbm>> -> memref<1x1x128xf32, #tpu.memory_space<hbm>>
      %dma_start3A_891 = tpu.memref_squeeze %dma_start3A_890 : memref<1x1x128xf32, #tpu.memory_space<hbm>> -> memref<1x128xf32, #tpu.memory_space<hbm>>
      %dma_start3A_892 = arith.constant 0 : i32
      %dma_start3A_893 = tpu.memref_slice %arg2[%add3A_881, %dma_start3A_892] : memref<1024x128xf32, #tpu.memory_space<vmem>> -> memref<1x128xf32, #tpu.memory_space<vmem>>
      tpu.enqueue_dma source(%dma_start3A_893 : memref<1x128xf32, #tpu.memory_space<vmem>>) target(%dma_start3A_891 : memref<1x128xf32, #tpu.memory_space<hbm>>) target_semaphore(%dma_start3A_888 : memref<!tpu.dma_semaphore, #tpu.memory_space<semaphore_mem>>)
      %mul3A_894 = arith.constant 8 : i32
      %mul3A_895 = arith.muli %scan3A_864, %mul3A_894 : i32
      %add3A_896 = arith.constant 2 : i32
      %add3A_897 = arith.addi %mul3A_895, %add3A_896 : i32
      %get3A_898 = arith.index_cast %add3A_897 : i32 to index
      %get3A_899 = memref.load %arg1[%get3A_898] : memref<1024xi32, #tpu.memory_space<smem>>
      %add3A_900 = arith.constant 1 : i32
      %add3A_901 = arith.addi %get3A_899, %add3A_900 : i32
      %dma_start3A_902 = arith.constant 2 : i32
      %dma_start3A_903 = tpu.memref_slice %arg6[%dma_start3A_902] : memref<8x!tpu.dma_semaphore, #tpu.memory_space<semaphore_mem>> -> memref<1x!tpu.dma_semaphore, #tpu.memory_space<semaphore_mem>>
      %dma_start3A_904 = tpu.memref_squeeze %dma_start3A_903 : memref<1x!tpu.dma_semaphore, #tpu.memory_space<semaphore_mem>> -> memref<!tpu.dma_semaphore, #tpu.memory_space<semaphore_mem>>
      %dma_start3A_905 = arith.constant 0 : i32
      %dma_start3A_906 = tpu.memref_slice %arg3[%add3A_901, %add3A_897, %dma_start3A_905] : memref<201x1024x128xf32, #tpu.memory_space<hbm>> -> memref<1x1x128xf32, #tpu.memory_space<hbm>>
      %dma_start3A_907 = tpu.memref_squeeze %dma_start3A_906 : memref<1x1x128xf32, #tpu.memory_space<hbm>> -> memref<1x128xf32, #tpu.memory_space<hbm>>
      %dma_start3A_908 = arith.constant 0 : i32
      %dma_start3A_909 = tpu.memref_slice %arg2[%add3A_897, %dma_start3A_908] : memref<1024x128xf32, #tpu.memory_space<vmem>> -> memref<1x128xf32, #tpu.memory_space<vmem>>
      tpu.enqueue_dma source(%dma_start3A_909 : memref<1x128xf32, #tpu.memory_space<vmem>>) target(%dma_start3A_907 : memref<1x128xf32, #tpu.memory_space<hbm>>) target_semaphore(%dma_start3A_904 : memref<!tpu.dma_semaphore, #tpu.memory_space<semaphore_mem>>)
      %mul3A_910 = arith.constant 8 : i32
      %mul3A_911 = arith.muli %scan3A_864, %mul3A_910 : i32
      %add3A_912 = arith.constant 3 : i32
      %add3A_913 = arith.addi %mul3A_911, %add3A_912 : i32
      %get3A_914 = arith.index_cast %add3A_913 : i32 to index
      %get3A_915 = memref.load %arg1[%get3A_914] : memref<1024xi32, #tpu.memory_space<smem>>
      %add3A_916 = arith.constant 1 : i32
      %add3A_917 = arith.addi %get3A_915, %add3A_916 : i32
      %dma_start3A_918 = arith.constant 3 : i32
      %dma_start3A_919 = tpu.memref_slice %arg6[%dma_start3A_918] : memref<8x!tpu.dma_semaphore, #tpu.memory_space<semaphore_mem>> -> memref<1x!tpu.dma_semaphore, #tpu.memory_space<semaphore_mem>>
      %dma_start3A_920 = tpu.memref_squeeze %dma_start3A_919 : memref<1x!tpu.dma_semaphore, #tpu.memory_space<semaphore_mem>> -> memref<!tpu.dma_semaphore, #tpu.memory_space<semaphore_mem>>
      %dma_start3A_921 = arith.constant 0 : i32
      %dma_start3A_922 = tpu.memref_slice %arg3[%add3A_917, %add3A_913, %dma_start3A_921] : memref<201x1024x128xf32, #tpu.memory_space<hbm>> -> memref<1x1x128xf32, #tpu.memory_space<hbm>>
      %dma_start3A_923 = tpu.memref_squeeze %dma_start3A_922 : memref<1x1x128xf32, #tpu.memory_space<hbm>> -> memref<1x128xf32, #tpu.memory_space<hbm>>
      %dma_start3A_924 = arith.constant 0 : i32
      %dma_start3A_925 = tpu.memref_slice %arg2[%add3A_913, %dma_start3A_924] : memref<1024x128xf32, #tpu.memory_space<vmem>> -> memref<1x128xf32, #tpu.memory_space<vmem>>
      tpu.enqueue_dma source(%dma_start3A_925 : memref<1x128xf32, #tpu.memory_space<vmem>>) target(%dma_start3A_923 : memref<1x128xf32, #tpu.memory_space<hbm>>) target_semaphore(%dma_start3A_920 : memref<!tpu.dma_semaphore, #tpu.memory_space<semaphore_mem>>)
      %mul3A_926 = arith.constant 8 : i32
      %mul3A_927 = arith.muli %scan3A_864, %mul3A_926 : i32
      %add3A_928 = arith.constant 4 : i32
      %add3A_929 = arith.addi %mul3A_927, %add3A_928 : i32
      %get3A_930 = arith.index_cast %add3A_929 : i32 to index
      %get3A_931 = memref.load %arg1[%get3A_930] : memref<1024xi32, #tpu.memory_space<smem>>
      %add3A_932 = arith.constant 1 : i32
      %add3A_933 = arith.addi %get3A_931, %add3A_932 : i32
      %dma_start3A_934 = arith.constant 4 : i32
      %dma_start3A_935 = tpu.memref_slice %arg6[%dma_start3A_934] : memref<8x!tpu.dma_semaphore, #tpu.memory_space<semaphore_mem>> -> memref<1x!tpu.dma_semaphore, #tpu.memory_space<semaphore_mem>>
      %dma_start3A_936 = tpu.memref_squeeze %dma_start3A_935 : memref<1x!tpu.dma_semaphore, #tpu.memory_space<semaphore_mem>> -> memref<!tpu.dma_semaphore, #tpu.memory_space<semaphore_mem>>
      %dma_start3A_937 = arith.constant 0 : i32
      %dma_start3A_938 = tpu.memref_slice %arg3[%add3A_933, %add3A_929, %dma_start3A_937] : memref<201x1024x128xf32, #tpu.memory_space<hbm>> -> memref<1x1x128xf32, #tpu.memory_space<hbm>>
      %dma_start3A_939 = tpu.memref_squeeze %dma_start3A_938 : memref<1x1x128xf32, #tpu.memory_space<hbm>> -> memref<1x128xf32, #tpu.memory_space<hbm>>
      %dma_start3A_940 = arith.constant 0 : i32
      %dma_start3A_941 = tpu.memref_slice %arg2[%add3A_929, %dma_start3A_940] : memref<1024x128xf32, #tpu.memory_space<vmem>> -> memref<1x128xf32, #tpu.memory_space<vmem>>
      tpu.enqueue_dma source(%dma_start3A_941 : memref<1x128xf32, #tpu.memory_space<vmem>>) target(%dma_start3A_939 : memref<1x128xf32, #tpu.memory_space<hbm>>) target_semaphore(%dma_start3A_936 : memref<!tpu.dma_semaphore, #tpu.memory_space<semaphore_mem>>)
      %mul3A_942 = arith.constant 8 : i32
      %mul3A_943 = arith.muli %scan3A_864, %mul3A_942 : i32
      %add3A_944 = arith.constant 5 : i32
      %add3A_945 = arith.addi %mul3A_943, %add3A_944 : i32
      %get3A_946 = arith.index_cast %add3A_945 : i32 to index
      %get3A_947 = memref.load %arg1[%get3A_946] : memref<1024xi32, #tpu.memory_space<smem>>
      %add3A_948 = arith.constant 1 : i32
      %add3A_949 = arith.addi %get3A_947, %add3A_948 : i32
      %dma_start3A_950 = arith.constant 5 : i32
      %dma_start3A_951 = tpu.memref_slice %arg6[%dma_start3A_950] : memref<8x!tpu.dma_semaphore, #tpu.memory_space<semaphore_mem>> -> memref<1x!tpu.dma_semaphore, #tpu.memory_space<semaphore_mem>>
      %dma_start3A_952 = tpu.memref_squeeze %dma_start3A_951 : memref<1x!tpu.dma_semaphore, #tpu.memory_space<semaphore_mem>> -> memref<!tpu.dma_semaphore, #tpu.memory_space<semaphore_mem>>
      %dma_start3A_953 = arith.constant 0 : i32
      %dma_start3A_954 = tpu.memref_slice %arg3[%add3A_949, %add3A_945, %dma_start3A_953] : memref<201x1024x128xf32, #tpu.memory_space<hbm>> -> memref<1x1x128xf32, #tpu.memory_space<hbm>>
      %dma_start3A_955 = tpu.memref_squeeze %dma_start3A_954 : memref<1x1x128xf32, #tpu.memory_space<hbm>> -> memref<1x128xf32, #tpu.memory_space<hbm>>
      %dma_start3A_956 = arith.constant 0 : i32
      %dma_start3A_957 = tpu.memref_slice %arg2[%add3A_945, %dma_start3A_956] : memref<1024x128xf32, #tpu.memory_space<vmem>> -> memref<1x128xf32, #tpu.memory_space<vmem>>
      tpu.enqueue_dma source(%dma_start3A_957 : memref<1x128xf32, #tpu.memory_space<vmem>>) target(%dma_start3A_955 : memref<1x128xf32, #tpu.memory_space<hbm>>) target_semaphore(%dma_start3A_952 : memref<!tpu.dma_semaphore, #tpu.memory_space<semaphore_mem>>)
      %mul3A_958 = arith.constant 8 : i32
      %mul3A_959 = arith.muli %scan3A_864, %mul3A_958 : i32
      %add3A_960 = arith.constant 6 : i32
      %add3A_961 = arith.addi %mul3A_959, %add3A_960 : i32
      %get3A_962 = arith.index_cast %add3A_961 : i32 to index
      %get3A_963 = memref.load %arg1[%get3A_962] : memref<1024xi32, #tpu.memory_space<smem>>
      %add3A_964 = arith.constant 1 : i32
      %add3A_965 = arith.addi %get3A_963, %add3A_964 : i32
      %dma_start3A_966 = arith.constant 6 : i32
      %dma_start3A_967 = tpu.memref_slice %arg6[%dma_start3A_966] : memref<8x!tpu.dma_semaphore, #tpu.memory_space<semaphore_mem>> -> memref<1x!tpu.dma_semaphore, #tpu.memory_space<semaphore_mem>>
      %dma_start3A_968 = tpu.memref_squeeze %dma_start3A_967 : memref<1x!tpu.dma_semaphore, #tpu.memory_space<semaphore_mem>> -> memref<!tpu.dma_semaphore, #tpu.memory_space<semaphore_mem>>
      %dma_start3A_969 = arith.constant 0 : i32
      %dma_start3A_970 = tpu.memref_slice %arg3[%add3A_965, %add3A_961, %dma_start3A_969] : memref<201x1024x128xf32, #tpu.memory_space<hbm>> -> memref<1x1x128xf32, #tpu.memory_space<hbm>>
      %dma_start3A_971 = tpu.memref_squeeze %dma_start3A_970 : memref<1x1x128xf32, #tpu.memory_space<hbm>> -> memref<1x128xf32, #tpu.memory_space<hbm>>
      %dma_start3A_972 = arith.constant 0 : i32
      %dma_start3A_973 = tpu.memref_slice %arg2[%add3A_961, %dma_start3A_972] : memref<1024x128xf32, #tpu.memory_space<vmem>> -> memref<1x128xf32, #tpu.memory_space<vmem>>
      tpu.enqueue_dma source(%dma_start3A_973 : memref<1x128xf32, #tpu.memory_space<vmem>>) target(%dma_start3A_971 : memref<1x128xf32, #tpu.memory_space<hbm>>) target_semaphore(%dma_start3A_968 : memref<!tpu.dma_semaphore, #tpu.memory_space<semaphore_mem>>)
      %mul3A_974 = arith.constant 8 : i32
      %mul3A_975 = arith.muli %scan3A_864, %mul3A_974 : i32
      %add3A_976 = arith.constant 7 : i32
      %add3A_977 = arith.addi %mul3A_975, %add3A_976 : i32
      %get3A_978 = arith.index_cast %add3A_977 : i32 to index
      %get3A_979 = memref.load %arg1[%get3A_978] : memref<1024xi32, #tpu.memory_space<smem>>
      %add3A_980 = arith.constant 1 : i32
      %add3A_981 = arith.addi %get3A_979, %add3A_980 : i32
      %dma_start3A_982 = arith.constant 7 : i32
      %dma_start3A_983 = tpu.memref_slice %arg6[%dma_start3A_982] : memref<8x!tpu.dma_semaphore, #tpu.memory_space<semaphore_mem>> -> memref<1x!tpu.dma_semaphore, #tpu.memory_space<semaphore_mem>>
      %dma_start3A_984 = tpu.memref_squeeze %dma_start3A_983 : memref<1x!tpu.dma_semaphore, #tpu.memory_space<semaphore_mem>> -> memref<!tpu.dma_semaphore, #tpu.memory_space<semaphore_mem>>
      %dma_start3A_985 = arith.constant 0 : i32
      %dma_start3A_986 = tpu.memref_slice %arg3[%add3A_981, %add3A_977, %dma_start3A_985] : memref<201x1024x128xf32, #tpu.memory_space<hbm>> -> memref<1x1x128xf32, #tpu.memory_space<hbm>>
      %dma_start3A_987 = tpu.memref_squeeze %dma_start3A_986 : memref<1x1x128xf32, #tpu.memory_space<hbm>> -> memref<1x128xf32, #tpu.memory_space<hbm>>
      %dma_start3A_988 = arith.constant 0 : i32
      %dma_start3A_989 = tpu.memref_slice %arg2[%add3A_977, %dma_start3A_988] : memref<1024x128xf32, #tpu.memory_space<vmem>> -> memref<1x128xf32, #tpu.memory_space<vmem>>
      tpu.enqueue_dma source(%dma_start3A_989 : memref<1x128xf32, #tpu.memory_space<vmem>>) target(%dma_start3A_987 : memref<1x128xf32, #tpu.memory_space<hbm>>) target_semaphore(%dma_start3A_984 : memref<!tpu.dma_semaphore, #tpu.memory_space<semaphore_mem>>)
    }
    %scan3A_775 = arith.constant 128 : i32
    %dma_wait3A_776 = arith.constant 0 : i32
    %dma_wait3A_777 = arith.constant 0 : i32
    %dma_wait3A_778 = tpu.memref_slice %arg6[%dma_wait3A_777] : memref<8x!tpu.dma_semaphore, #tpu.memory_space<semaphore_mem>> -> memref<1x!tpu.dma_semaphore, #tpu.memory_space<semaphore_mem>>
    %dma_wait3A_779 = tpu.memref_squeeze %dma_wait3A_778 : memref<1x!tpu.dma_semaphore, #tpu.memory_space<semaphore_mem>> -> memref<!tpu.dma_semaphore, #tpu.memory_space<semaphore_mem>>
    %dma_wait3A_780 = arith.constant 0 : i32
    %dma_wait3A_781 = arith.constant 0 : i32
    %dma_wait3A_782 = tpu.memref_slice %arg3[%dma_wait3A_776, %dma_wait3A_780, %dma_wait3A_781] : memref<201x1024x128xf32, #tpu.memory_space<hbm>> -> memref<1x128x128xf32, #tpu.memory_space<hbm>>
    %dma_wait3A_783 = tpu.memref_squeeze %dma_wait3A_782 : memref<1x128x128xf32, #tpu.memory_space<hbm>> -> memref<128x128xf32, #tpu.memory_space<hbm>>
    %dma_wait3A_784 = arith.constant 0 : i32
    %dma_wait3A_785 = arith.constant 0 : i32
    %dma_wait3A_786 = tpu.memref_slice %arg2[%dma_wait3A_784, %dma_wait3A_785] : memref<1024x128xf32, #tpu.memory_space<vmem>> -> memref<128x128xf32, #tpu.memory_space<vmem>>
    tpu.wait_dma2 semaphore(%dma_wait3A_779 : memref<!tpu.dma_semaphore, #tpu.memory_space<semaphore_mem>>) src(%dma_wait3A_786 : memref<128x128xf32, #tpu.memory_space<vmem>>) dst(%dma_wait3A_783 : memref<128x128xf32, #tpu.memory_space<hbm>>)
    %dma_wait3A_787 = arith.constant 0 : i32
    %dma_wait3A_788 = arith.constant 1 : i32
    %dma_wait3A_789 = tpu.memref_slice %arg6[%dma_wait3A_788] : memref<8x!tpu.dma_semaphore, #tpu.memory_space<semaphore_mem>> -> memref<1x!tpu.dma_semaphore, #tpu.memory_space<semaphore_mem>>
    %dma_wait3A_790 = tpu.memref_squeeze %dma_wait3A_789 : memref<1x!tpu.dma_semaphore, #tpu.memory_space<semaphore_mem>> -> memref<!tpu.dma_semaphore, #tpu.memory_space<semaphore_mem>>
    %dma_wait3A_791 = arith.constant 0 : i32
    %dma_wait3A_792 = arith.constant 0 : i32
    %dma_wait3A_793 = tpu.memref_slice %arg3[%dma_wait3A_787, %dma_wait3A_791, %dma_wait3A_792] : memref<201x1024x128xf32, #tpu.memory_space<hbm>> -> memref<1x128x128xf32, #tpu.memory_space<hbm>>
    %dma_wait3A_794 = tpu.memref_squeeze %dma_wait3A_793 : memref<1x128x128xf32, #tpu.memory_space<hbm>> -> memref<128x128xf32, #tpu.memory_space<hbm>>
    %dma_wait3A_795 = arith.constant 0 : i32
    %dma_wait3A_796 = arith.constant 0 : i32
    %dma_wait3A_797 = tpu.memref_slice %arg2[%dma_wait3A_795, %dma_wait3A_796] : memref<1024x128xf32, #tpu.memory_space<vmem>> -> memref<128x128xf32, #tpu.memory_space<vmem>>
    tpu.wait_dma2 semaphore(%dma_wait3A_790 : memref<!tpu.dma_semaphore, #tpu.memory_space<semaphore_mem>>) src(%dma_wait3A_797 : memref<128x128xf32, #tpu.memory_space<vmem>>) dst(%dma_wait3A_794 : memref<128x128xf32, #tpu.memory_space<hbm>>)
    %dma_wait3A_798 = arith.constant 0 : i32
    %dma_wait3A_799 = arith.constant 2 : i32
    %dma_wait3A_800 = tpu.memref_slice %arg6[%dma_wait3A_799] : memref<8x!tpu.dma_semaphore, #tpu.memory_space<semaphore_mem>> -> memref<1x!tpu.dma_semaphore, #tpu.memory_space<semaphore_mem>>
    %dma_wait3A_801 = tpu.memref_squeeze %dma_wait3A_800 : memref<1x!tpu.dma_semaphore, #tpu.memory_space<semaphore_mem>> -> memref<!tpu.dma_semaphore, #tpu.memory_space<semaphore_mem>>
    %dma_wait3A_802 = arith.constant 0 : i32
    %dma_wait3A_803 = arith.constant 0 : i32
    %dma_wait3A_804 = tpu.memref_slice %arg3[%dma_wait3A_798, %dma_wait3A_802, %dma_wait3A_803] : memref<201x1024x128xf32, #tpu.memory_space<hbm>> -> memref<1x128x128xf32, #tpu.memory_space<hbm>>
    %dma_wait3A_805 = tpu.memref_squeeze %dma_wait3A_804 : memref<1x128x128xf32, #tpu.memory_space<hbm>> -> memref<128x128xf32, #tpu.memory_space<hbm>>
    %dma_wait3A_806 = arith.constant 0 : i32
    %dma_wait3A_807 = arith.constant 0 : i32
    %dma_wait3A_808 = tpu.memref_slice %arg2[%dma_wait3A_806, %dma_wait3A_807] : memref<1024x128xf32, #tpu.memory_space<vmem>> -> memref<128x128xf32, #tpu.memory_space<vmem>>
    tpu.wait_dma2 semaphore(%dma_wait3A_801 : memref<!tpu.dma_semaphore, #tpu.memory_space<semaphore_mem>>) src(%dma_wait3A_808 : memref<128x128xf32, #tpu.memory_space<vmem>>) dst(%dma_wait3A_805 : memref<128x128xf32, #tpu.memory_space<hbm>>)
    %dma_wait3A_809 = arith.constant 0 : i32
    %dma_wait3A_810 = arith.constant 3 : i32
    %dma_wait3A_811 = tpu.memref_slice %arg6[%dma_wait3A_810] : memref<8x!tpu.dma_semaphore, #tpu.memory_space<semaphore_mem>> -> memref<1x!tpu.dma_semaphore, #tpu.memory_space<semaphore_mem>>
    %dma_wait3A_812 = tpu.memref_squeeze %dma_wait3A_811 : memref<1x!tpu.dma_semaphore, #tpu.memory_space<semaphore_mem>> -> memref<!tpu.dma_semaphore, #tpu.memory_space<semaphore_mem>>
    %dma_wait3A_813 = arith.constant 0 : i32
    %dma_wait3A_814 = arith.constant 0 : i32
    %dma_wait3A_815 = tpu.memref_slice %arg3[%dma_wait3A_809, %dma_wait3A_813, %dma_wait3A_814] : memref<201x1024x128xf32, #tpu.memory_space<hbm>> -> memref<1x128x128xf32, #tpu.memory_space<hbm>>
    %dma_wait3A_816 = tpu.memref_squeeze %dma_wait3A_815 : memref<1x128x128xf32, #tpu.memory_space<hbm>> -> memref<128x128xf32, #tpu.memory_space<hbm>>
    %dma_wait3A_817 = arith.constant 0 : i32
    %dma_wait3A_818 = arith.constant 0 : i32
    %dma_wait3A_819 = tpu.memref_slice %arg2[%dma_wait3A_817, %dma_wait3A_818] : memref<1024x128xf32, #tpu.memory_space<vmem>> -> memref<128x128xf32, #tpu.memory_space<vmem>>
    tpu.wait_dma2 semaphore(%dma_wait3A_812 : memref<!tpu.dma_semaphore, #tpu.memory_space<semaphore_mem>>) src(%dma_wait3A_819 : memref<128x128xf32, #tpu.memory_space<vmem>>) dst(%dma_wait3A_816 : memref<128x128xf32, #tpu.memory_space<hbm>>)
    %dma_wait3A_820 = arith.constant 0 : i32
    %dma_wait3A_821 = arith.constant 4 : i32
    %dma_wait3A_822 = tpu.memref_slice %arg6[%dma_wait3A_821] : memref<8x!tpu.dma_semaphore, #tpu.memory_space<semaphore_mem>> -> memref<1x!tpu.dma_semaphore, #tpu.memory_space<semaphore_mem>>
    %dma_wait3A_823 = tpu.memref_squeeze %dma_wait3A_822 : memref<1x!tpu.dma_semaphore, #tpu.memory_space<semaphore_mem>> -> memref<!tpu.dma_semaphore, #tpu.memory_space<semaphore_mem>>
    %dma_wait3A_824 = arith.constant 0 : i32
    %dma_wait3A_825 = arith.constant 0 : i32
    %dma_wait3A_826 = tpu.memref_slice %arg3[%dma_wait3A_820, %dma_wait3A_824, %dma_wait3A_825] : memref<201x1024x128xf32, #tpu.memory_space<hbm>> -> memref<1x128x128xf32, #tpu.memory_space<hbm>>
    %dma_wait3A_827 = tpu.memref_squeeze %dma_wait3A_826 : memref<1x128x128xf32, #tpu.memory_space<hbm>> -> memref<128x128xf32, #tpu.memory_space<hbm>>
    %dma_wait3A_828 = arith.constant 0 : i32
    %dma_wait3A_829 = arith.constant 0 : i32
    %dma_wait3A_830 = tpu.memref_slice %arg2[%dma_wait3A_828, %dma_wait3A_829] : memref<1024x128xf32, #tpu.memory_space<vmem>> -> memref<128x128xf32, #tpu.memory_space<vmem>>
    tpu.wait_dma2 semaphore(%dma_wait3A_823 : memref<!tpu.dma_semaphore, #tpu.memory_space<semaphore_mem>>) src(%dma_wait3A_830 : memref<128x128xf32, #tpu.memory_space<vmem>>) dst(%dma_wait3A_827 : memref<128x128xf32, #tpu.memory_space<hbm>>)
    %dma_wait3A_831 = arith.constant 0 : i32
    %dma_wait3A_832 = arith.constant 5 : i32
    %dma_wait3A_833 = tpu.memref_slice %arg6[%dma_wait3A_832] : memref<8x!tpu.dma_semaphore, #tpu.memory_space<semaphore_mem>> -> memref<1x!tpu.dma_semaphore, #tpu.memory_space<semaphore_mem>>
    %dma_wait3A_834 = tpu.memref_squeeze %dma_wait3A_833 : memref<1x!tpu.dma_semaphore, #tpu.memory_space<semaphore_mem>> -> memref<!tpu.dma_semaphore, #tpu.memory_space<semaphore_mem>>
    %dma_wait3A_835 = arith.constant 0 : i32
    %dma_wait3A_836 = arith.constant 0 : i32
    %dma_wait3A_837 = tpu.memref_slice %arg3[%dma_wait3A_831, %dma_wait3A_835, %dma_wait3A_836] : memref<201x1024x128xf32, #tpu.memory_space<hbm>> -> memref<1x128x128xf32, #tpu.memory_space<hbm>>
    %dma_wait3A_838 = tpu.memref_squeeze %dma_wait3A_837 : memref<1x128x128xf32, #tpu.memory_space<hbm>> -> memref<128x128xf32, #tpu.memory_space<hbm>>
    %dma_wait3A_839 = arith.constant 0 : i32
    %dma_wait3A_840 = arith.constant 0 : i32
    %dma_wait3A_841 = tpu.memref_slice %arg2[%dma_wait3A_839, %dma_wait3A_840] : memref<1024x128xf32, #tpu.memory_space<vmem>> -> memref<128x128xf32, #tpu.memory_space<vmem>>
    tpu.wait_dma2 semaphore(%dma_wait3A_834 : memref<!tpu.dma_semaphore, #tpu.memory_space<semaphore_mem>>) src(%dma_wait3A_841 : memref<128x128xf32, #tpu.memory_space<vmem>>) dst(%dma_wait3A_838 : memref<128x128xf32, #tpu.memory_space<hbm>>)
    %dma_wait3A_842 = arith.constant 0 : i32
    %dma_wait3A_843 = arith.constant 6 : i32
    %dma_wait3A_844 = tpu.memref_slice %arg6[%dma_wait3A_843] : memref<8x!tpu.dma_semaphore, #tpu.memory_space<semaphore_mem>> -> memref<1x!tpu.dma_semaphore, #tpu.memory_space<semaphore_mem>>
    %dma_wait3A_845 = tpu.memref_squeeze %dma_wait3A_844 : memref<1x!tpu.dma_semaphore, #tpu.memory_space<semaphore_mem>> -> memref<!tpu.dma_semaphore, #tpu.memory_space<semaphore_mem>>
    %dma_wait3A_846 = arith.constant 0 : i32
    %dma_wait3A_847 = arith.constant 0 : i32
    %dma_wait3A_848 = tpu.memref_slice %arg3[%dma_wait3A_842, %dma_wait3A_846, %dma_wait3A_847] : memref<201x1024x128xf32, #tpu.memory_space<hbm>> -> memref<1x128x128xf32, #tpu.memory_space<hbm>>
    %dma_wait3A_849 = tpu.memref_squeeze %dma_wait3A_848 : memref<1x128x128xf32, #tpu.memory_space<hbm>> -> memref<128x128xf32, #tpu.memory_space<hbm>>
    %dma_wait3A_850 = arith.constant 0 : i32
    %dma_wait3A_851 = arith.constant 0 : i32
    %dma_wait3A_852 = tpu.memref_slice %arg2[%dma_wait3A_850, %dma_wait3A_851] : memref<1024x128xf32, #tpu.memory_space<vmem>> -> memref<128x128xf32, #tpu.memory_space<vmem>>
    tpu.wait_dma2 semaphore(%dma_wait3A_845 : memref<!tpu.dma_semaphore, #tpu.memory_space<semaphore_mem>>) src(%dma_wait3A_852 : memref<128x128xf32, #tpu.memory_space<vmem>>) dst(%dma_wait3A_849 : memref<128x128xf32, #tpu.memory_space<hbm>>)
    %dma_wait3A_853 = arith.constant 0 : i32
    %dma_wait3A_854 = arith.constant 7 : i32
    %dma_wait3A_855 = tpu.memref_slice %arg6[%dma_wait3A_854] : memref<8x!tpu.dma_semaphore, #tpu.memory_space<semaphore_mem>> -> memref<1x!tpu.dma_semaphore, #tpu.memory_space<semaphore_mem>>
    %dma_wait3A_856 = tpu.memref_squeeze %dma_wait3A_855 : memref<1x!tpu.dma_semaphore, #tpu.memory_space<semaphore_mem>> -> memref<!tpu.dma_semaphore, #tpu.memory_space<semaphore_mem>>
    %dma_wait3A_857 = arith.constant 0 : i32
    %dma_wait3A_858 = arith.constant 0 : i32
    %dma_wait3A_859 = tpu.memref_slice %arg3[%dma_wait3A_853, %dma_wait3A_857, %dma_wait3A_858] : memref<201x1024x128xf32, #tpu.memory_space<hbm>> -> memref<1x128x128xf32, #tpu.memory_space<hbm>>
    %dma_wait3A_860 = tpu.memref_squeeze %dma_wait3A_859 : memref<1x128x128xf32, #tpu.memory_space<hbm>> -> memref<128x128xf32, #tpu.memory_space<hbm>>
    %dma_wait3A_861 = arith.constant 0 : i32
    %dma_wait3A_862 = arith.constant 0 : i32
    %dma_wait3A_863 = tpu.memref_slice %arg2[%dma_wait3A_861, %dma_wait3A_862] : memref<1024x128xf32, #tpu.memory_space<vmem>> -> memref<128x128xf32, #tpu.memory_space<vmem>>
    tpu.wait_dma2 semaphore(%dma_wait3A_856 : memref<!tpu.dma_semaphore, #tpu.memory_space<semaphore_mem>>) src(%dma_wait3A_863 : memref<128x128xf32, #tpu.memory_space<vmem>>) dst(%dma_wait3A_860 : memref<128x128xf32, #tpu.memory_space<hbm>>)
    return
  }
}

</mosaic_0001>

<sc_bundles>
// kernel: kernel.5.cloned.1.call-start
scs
__scs_entry_jumppad:
0x0: {  	(pc) =	sbr.rel $0x88, $3  }
0x1: {  	(tag) =	ssettag $0x0;
	lr =	simm.s32 $0x1  }
0x2: {  	[smem:$0x3F9E] =	sst lr;
	_ =	strace $0xD0000000  }
0x3: {  	_ = 	snop  }
0x4: {  	_ = 	snop  }
0x5: {  	_ = 	snop  }
0x6: {  	_ = 	snop  }
0x7: {  	_ = 	snop  }
__scs_overlays_trampoline_lowered:
0x8: {  	[smem:$0x3FAD] =	sst s0  }
0x9: {  	[smem:$0x3FAE] =	sst s1  }
0xa: {  	[smem:$0x3FAF] =	sst s2  }
0xb: {  	[smem:$0x3FB0] =	sst s3  }
0xc: {  	[smem:$0x3FB1] =	sst s4  }
0xd: {  	[smem:$0x3FB2] =	sst s5  }
0xe: {  	[smem:$0x3FB3] =	sst s6  }
0xf: {  	[smem:$0x3FB4] =	sst s7  }
0x10: {  	[smem:$0x3FB5] =	sst s8  }
0x11: {  	[smem:$0x3FB6] =	sst s9;
	s0 =	simm.s32 @!p0 $0x0  }
0x12: {  	s1 =	sld [smem:$0x3F9C];
	s0 =	simm.s32 @p0 $0x1  }
0x13: {  	[smem:$0x3FB7] =	sst s0;
	s0 =	simm.s32 @!p1 $0x0  }
0x14: {  	s2 =	sld [smem:$0x3F9B];
	s0 =	simm.s32 @p1 $0x1  }
0x15: {  	[smem:$0x3FB8] =	sst s0;
	s0 =	simm.s32 @!p2 $0x0  }
0x16: {  	s3 =	sld [smem:$0x3FDB];
	s0 =	simm.s32 @p2 $0x1  }
0x17: {  	s4 =	simm.s32 $0x1BF5;
	[smem:$0x3FBA] =	sst s0  }
0x18: {  	s0 =	sld [smem:$0x3F9D];
	_ =	swait.ge [sflag:s4], $0x0  }
0x19: {  	s7 =	sld [smem:$0x3F9E]  }
0x1a: {  	s8 =	sadd.s32 $0xFFFFE003, lr  }
0x1b: {  	s9 =	sadd.s32 $0xFFFFFEF7, lr;
	s5 =	simm.s32 $0xFFFFFFFF;
	p2 =	slt.u32 s8, $0xFFFFF086  }
0x1c: {  	p1 =	slt.u32 s9, $0xF7A;
	s5 =	simm.s32 @!p2 $0x0  }
0x1d: {  	s5 =	simm.s32 @p1 $0x1;
	p0 =	seq.s32 s7, s2  }
0x1e: {  	s7 =	smul.u32 @!p0 $0xF7A, s2;
	p2 =	seq.s32 @!p0 s5, $0x0  }
0x1f: {  	s9 =	smul.u32 $0xF7A, s1;
	s8 =	simm.s32 @!p0 $0x1BF5;
	p2 =	por !p2, p0  }
0x20: {  	[sflag:s8] =	ssyncset.s32 @!p0 $0xFFFFF086;
	s6 =	sadd.s32 @!p0 s3, s7;
	s7 =	simm.s32 @!p0 $0x108  }
0x21: {  	s3 =	sadd.s32 s3, s9;
	s6 =	sadd.s32 @!p0 $0x88, s6;
	s7 =	simm.s32 @p2 $0x1082  }
0x22: {  	[simem:s7], [sflag:s8] =	dma.local @!p0 [hbm:s6], $0xF7A  }
0x23: {  	s9 =	sor.u32 $0xD0000000, s2;
	s6 =	simm.s32 $0x108;
	_ =	swait.ge @!p0 [sflag:s8], $0x0  }
0x24: {  	s3 =	sadd.s32 $0x88, s3;
	s6 =	simm.s32 @!p1 $0x1082;
	[sflag:s4] =	ssyncset.s32 $0xFFFFF086  }
0x25: {  	[simem:s6], [sflag:s4] =	dma.local [hbm:s3], $0xF7A  }
0x26: {  	[smem:$0x3F9E] =	sst s1;
	(tag) =	ssettag s2;
	_ =	strace s9  }
0x27: {  	s1 =	sld [smem:$0x3FAE]  }
0x28: {  	s2 =	sld [smem:$0x3FAF]  }
0x29: {  	s4 =	sld [smem:$0x3FB1]  }
0x2a: {  	p0 =	seq.s32 s5, $0x0;
	s5 =	sld [smem:$0x3FB2]  }
0x2b: {  	s6 =	sld [smem:$0x3FB3]  }
0x2c: {  	s7 =	sld [smem:$0x3FB4]  }
0x2d: {  	s3 =	simm.s32 $0x108;
	s8 =	sld [smem:$0x3FB5]  }
0x2e: {  	s3 =	simm.s32 @!p0 $0x1082;
	s9 =	sld [smem:$0x3FB6]  }
0x2f: {  	lr =	sadd.s32 s0, s3;
	s0 =	sld [smem:$0x3FAD]  }
0x30: {  	s3 =	sld [smem:$0x3FB0]  }
0x31: {  	[smem:$0x3FB9] =	sst s10  }
0x32: {  	s10 =	sld [smem:$0x3FB7];
	_ =	sdelay $0x3  }
0x33: {  	p0 =	seq.s32 s10, $0x1;
	s10 =	sld [smem:$0x3FB9];
	_ =	sdelay $0x3  }
0x34: {  	[smem:$0x3FB9] =	sst s10  }
0x35: {  	s10 =	sld [smem:$0x3FB8];
	_ =	sdelay $0x3  }
0x36: {  	p1 =	seq.s32 s10, $0x1;
	s10 =	sld [smem:$0x3FB9];
	_ =	sdelay $0x3  }
0x37: {  	[smem:$0x3FB9] =	sst s10  }
0x38: {  	s10 =	sld [smem:$0x3FBA]  }
0x39: {  	_ = 	snop;
	(pc) =	sbr.ind lr, $3  }
0x3a: {  	_ = 	snop  }
0x3b: {  	_ = 	snop  }
0x3c: {  	p2 =	seq.s32 s10, $0x1;
	s10 =	sld [smem:$0x3FB9]  }
0x3d: {  	_ =	shalt  }
0x3e: {  	_ =	shalt  }
0x3f: {  	_ =	shalt  }
0x40: {  	_ =	shalt  }
0x41: {  	_ =	shalt  }
0x42: {  	_ =	shalt  }
0x43: {  	_ =	shalt  }
0x44: {  	_ =	shalt  }
0x45: {  	_ =	shalt  }
0x46: {  	_ =	shalt  }
0x47: {  	_ =	shalt  }
0x48: {  	_ =	shalt  }
0x49: {  	_ =	shalt  }
0x4a: {  	_ =	shalt  }
0x4b: {  	_ =	shalt  }
0x4c: {  	_ =	shalt  }
0x4d: {  	_ =	shalt  }
0x4e: {  	_ =	shalt  }
0x4f: {  	_ =	shalt  }
0x50: {  	_ =	shalt  }
0x51: {  	_ =	shalt  }
0x52: {  	_ =	shalt  }
0x53: {  	_ =	shalt  }
0x54: {  	_ =	shalt  }
0x55: {  	_ =	shalt  }
0x56: {  	_ =	shalt  }
0x57: {  	_ =	shalt  }
0x58: {  	_ =	shalt  }
0x59: {  	_ =	shalt  }
0x5a: {  	_ =	shalt  }
0x5b: {  	_ =	shalt  }
0x5c: {  	_ =	shalt  }
0x5d: {  	_ =	shalt  }
0x5e: {  	_ =	shalt  }
0x5f: {  	_ =	shalt  }
0x60: {  	_ =	shalt  }
0x61: {  	_ =	shalt  }
0x62: {  	_ =	shalt  }
0x63: {  	_ =	shalt  }
0x64: {  	_ =	shalt  }
0x65: {  	_ =	shalt  }
0x66: {  	_ =	shalt  }
0x67: {  	_ =	shalt  }
0x68: {  	_ =	shalt  }
0x69: {  	_ =	shalt  }
0x6a: {  	_ =	shalt  }
0x6b: {  	_ =	shalt  }
0x6c: {  	_ =	shalt  }
0x6d: {  	_ =	shalt  }
0x6e: {  	_ =	shalt  }
0x6f: {  	_ =	shalt  }
0x70: {  	_ =	shalt  }
0x71: {  	_ =	shalt  }
0x72: {  	_ =	shalt  }
0x73: {  	_ =	shalt  }
0x74: {  	_ =	shalt  }
0x75: {  	_ =	shalt  }
0x76: {  	_ =	shalt  }
0x77: {  	_ =	shalt  }
0x78: {  	_ =	shalt  }
0x79: {  	_ =	shalt  }
0x7a: {  	_ =	shalt  }
0x7b: {  	_ =	shalt  }
0x7c: {  	_ =	shalt  }
0x7d: {  	_ =	shalt  }
0x7e: {  	_ =	shalt  }
0x7f: {  	_ =	shalt  }
0x80: {  	_ =	shalt  }
0x81: {  	_ =	shalt  }
0x82: {  	_ =	shalt  }
0x83: {  	_ =	shalt  }
0x84: {  	_ =	shalt  }
0x85: {  	_ =	shalt  }
0x86: {  	_ =	shalt  }
0x87: {  	_ =	shalt  }
.Lfunc_end0:
.L_simem_size_0:
called_computation_lowered:
.L_overlay_start_0:
0x88: {  	s2 =	sld [smem:$0x3FD9]  }
0x89: {  	s3 =	sld [smem:$0x3FFE];
	_ =	sdelay $0x1  }
0x8a: {  	s1 =	srdreg.scid  }
0x8b: {  	s0 =	sand.u32 $0x1, s1  }
0x8c: {  	s13 =	sshll.u32 s0, $0xA;
	s2 =	sadd.s32 s3, s2  }
0x8d: {  	s2 =	sadd.s32 s2, s13  }
0x8e: {  	[smem:$0x3FC5] =	sst s2  }
0x8f: {  	_ = 	snop  }
0x90: {  	s2 =	sld [smem:$0x3FD0];
	_ =	sdelay $0x2  }
0x91: {  	s14 =	simm.s32 $0x11;
	s4 =	simm.s32 $0x10  }
0x92: {  	[smem:s4], [sflag:s14] =	dma.local [hbm:s2], $0x1  }
0x93: {  	_ =	swait.eq [sflag:s14], $0x1  }
0x94: {  	[sflag:s14] =	ssyncset.done $0x0  }
0x95: {  	[sflag:s14] =	ssyncadd.s32 $0xFFFFFFFF  }
0x96: {  	s16 =	simm.s32 $0x0;
	s15 =	sld [smem:$0x10]  }
0x97: {  	[smem:$0xF] =	sst s16  }
0x98: {  	(tm) =	ssettm $0x1  }
0x99: {  	s17 =	sld [smem:$0x3FFB];
	_ =	sdelay $0x3  }
0x9a: {  	_ =	strace s17  }
0x9b: {  	s4 =	sld [smem:$0x3FFC];
	_ =	sdelay $0x3  }
0x9c: {  	_ =	strace s4  }
0x9d: {  	s4 =	sld [smem:$0x3FFD];
	_ =	sdelay $0x3  }
0x9e: {  	_ =	strace s4  }
0x9f: {  	s18 =	simm.s32 $0x1B8B;
	_ =	strace $0x8FFFFFFF  }
0xa0: {  	_ =	swait.ge [sflag:s18], $0x1  }
0xa1: {  	s19 =	simm.s32 $0x1B8E;
	s5 =	sld [smem:$0x3FFE]  }
0xa2: {  	s21 =	simm.s32 $0x9;
	s24 =	simm.s32 $0xA;
	[sflag:s18] =	ssyncset.done $0x0  }
0xa3: {  	s7 =	simm.s32 $0xB;
	s6 =	smul.u32 $0x240000, s0;
	[sflag:s18] =	ssyncadd.s32 $0xFFFFFFFF  }
0xa4: {  	s8 =	simm.s32 $0xC;
	s9 =	simm.s32 $0xD;
	[smem:$0x3FD2] =	sst s19  }
0xa5: {  	s23 =	sshrl.u32 s6, $0x3;
	_ =	strace $0x80000046;
	s20 =	sadd.s32 $0xA00, s5  }
0xa6: {  	[spmem:s16], [sflag:s21] =	dma.local [hbm:s20], $0xC000  }
0xa7: {  	s22 =	smul.u32 $0x48000, s0;
	s2 =	sadd.s32 s15, s23;
	_ =	swait.ge [sflag:s21], $0xC000  }
0xa8: {  	s29 =	simm.s32 $0xE;
	s25 =	sadd.s32 $0x18000, s2;
	[sflag:s21] =	ssyncset.done $0x0  }
0xa9: {  	s26 =	sadd.s32 $0x24000, s2;
	s4 =	sadd.s32 s22, s15;
	[sflag:s21] =	ssyncadd.s32 $0xFFFF4000  }
0xaa: {  	[hbm:s4], [sflag:s21] =	dma.local [spmem:s16], $0xC000  }
0xab: {  	s28 =	sadd.s32 $0x30000, s2;
	s4 =	sadd.s32 $0xC000, s2;
	s2 =	sadd.s32 $0x3C000, s2  }
0xac: {  	[hbm:s4], [sflag:s24] =	dma.local [spmem:s16], $0xC000  }
0xad: {  	[hbm:s25], [sflag:s7] =	dma.local [spmem:s16], $0xC000  }
0xae: {  	[hbm:s26], [sflag:s8] =	dma.local [spmem:s16], $0xC000  }
0xaf: {  	[hbm:s28], [sflag:s9] =	dma.local [spmem:s16], $0xC000  }
0xb0: {  	[hbm:s2], [sflag:s29] =	dma.local [spmem:s16], $0xC000  }
0xb1: {  	_ =	swait.ge [sflag:s21], $0xC000  }
0xb2: {  	[sflag:s21] =	ssyncset.done $0x0  }
0xb3: {  	[sflag:s21] =	ssyncadd.s32 $0xFFFF4000;
	_ =	sdelay $0x2  }
0xb4: {  	_ =	swait.ge [sflag:s24], $0xC000  }
0xb5: {  	[sflag:s24] =	ssyncset.done $0x0  }
0xb6: {  	[sflag:s24] =	ssyncadd.s32 $0xFFFF4000;
	_ =	sdelay $0x2  }
0xb7: {  	_ =	swait.ge [sflag:s7], $0xC000  }
0xb8: {  	[sflag:s7] =	ssyncset.done $0x0  }
0xb9: {  	[sflag:s7] =	ssyncadd.s32 $0xFFFF4000;
	_ =	sdelay $0x2  }
0xba: {  	_ =	swait.ge [sflag:s8], $0xC000  }
0xbb: {  	[sflag:s8] =	ssyncset.done $0x0  }
0xbc: {  	[sflag:s8] =	ssyncadd.s32 $0xFFFF4000;
	_ =	sdelay $0x2  }
0xbd: {  	_ =	swait.ge [sflag:s9], $0xC000  }
0xbe: {  	[sflag:s9] =	ssyncset.done $0x0  }
0xbf: {  	[sflag:s9] =	ssyncadd.s32 $0xFFFF4000;
	_ =	sdelay $0x2  }
0xc0: {  	_ =	swait.ge [sflag:s29], $0xC000  }
0xc1: {  	[sflag:s29] =	ssyncset.done $0x0  }
0xc2: {  	[sflag:s29] =	ssyncadd.s32 $0xFFFF4000  }
0xc3: {  	_ =	strace $0x90000046  }
0xc4: {  	_ =	sfence  }
0xc5: {  	s30 =	sld [smem:$0x0];
	_ =	sdelay $0x2  }
0xc6: {  	s31 =	sshll.u32 s1, $0xD;
	s1 =	sshrl.u32 s1, $0x2  }
0xc7: {  	s3 =	sand.u32 $0x4000, s31;
	s1 =	sadd.s32 s1, s30  }
0xc8: {  	s0 =	sor.u32 s3, s0;
	s1 =	sshll.u32 s1, $0x11  }
0xc9: {  	s0 =	sor.u32 s1, s0  }
0xca: {  	s0 =	sadd.s32 $0x8F2B, s0;
	(pc) =	sbr.abs _section_cstart, $3  }
0xcb: {  	[sflag:s0] =	ssyncadd.remote.s32 $0x1  }
0xcc: {  	_ =	strace $0x9FFFFFFF  }
0xcd: {  	(tm) =	ssettm $0x7FFFFFFF  }

</sc_bundles>
